<compile_context>
chip_gen: v7x
topology: tpu7x:2x2x1
jax: 0.10.2.dev20260603
libtpu: 0.0.44.dev20260713+nightly
codegen_flags: <defaults>
</compile_context>

<pallas_src>
import functools

import jax
import jax.numpy as jnp
from jax import lax
from jax.experimental import pallas as pl
from jax.experimental.pallas import tpu as pltpu
from jax.experimental.pallas import tpu_sc as plsc

N_NODES = 10000
FEAT = 128
G = 16
OUT = 3

NC = 2
NS = 16
NW = NC * NS
CHUNK = 128

ACC_ROWS = 10240
ROWS_PER_TILE = ACC_ROWS // NS

_mesh = plsc.VectorSubcoreMesh(core_axis_name="c", subcore_axis_name="s")

SPLIT0 = 0.65


def _make_agg(cpt):
    cpt0, cpt1 = cpt
    cptm = max(cpt0, cpt1)

    @functools.partial(
        pl.kernel,
        out_type=jax.ShapeDtypeStruct((NC * ACC_ROWS, FEAT), jnp.float32),
        mesh=_mesh,
        scratch_types=[
            pltpu.VMEM((cptm, CHUNK), jnp.int32),
            pltpu.VMEM((cptm, CHUNK), jnp.int32),
            pltpu.VMEM((CHUNK, FEAT), jnp.float32),
            pltpu.VMEM_SHARED((ACC_ROWS, FEAT), jnp.float32),
            pltpu.SemaphoreType.DMA,
        ],
    )
    def agg(h_hbm, src_hbm, dst_hbm, zeros_hbm, out_hbm, src_v, dst_v, rows_v, acc_sh, gsem):
        cid = lax.axis_index("c")
        sid = lax.axis_index("s")
        wid = sid * NC + cid
        r0 = sid * ROWS_PER_TILE
        cptc = jnp.where(cid == 0, cpt0, cpt1)
        pltpu.sync_copy(zeros_hbm.at[pl.ds(r0, ROWS_PER_TILE)],
                        acc_sh.at[pl.ds(r0, ROWS_PER_TILE)])
        pltpu.sync_copy(src_hbm.at[wid], src_v)
        pltpu.sync_copy(dst_hbm.at[wid], dst_v)
        plsc.subcore_barrier()

        def step(j, carry):
            pltpu.async_copy(h_hbm.at[src_v.at[j]], rows_v, gsem).wait()
            pltpu.sync_copy(rows_v, acc_sh.at[dst_v.at[j]], add=True)
            return carry

        lax.fori_loop(0, cptc, step, 0)
        plsc.subcore_barrier()
        pltpu.sync_copy(acc_sh.at[pl.ds(r0, ROWS_PER_TILE)],
                        out_hbm.at[pl.ds(cid * ACC_ROWS + r0, ROWS_PER_TILE)])

    return agg


def _make_deg(ept):

    @functools.partial(
        pl.kernel,
        out_type=jax.ShapeDtypeStruct((NW, ACC_ROWS), jnp.float32),
        mesh=_mesh,
        scratch_types=[
            pltpu.VMEM((ept,), jnp.int32),
            pltpu.VMEM((ACC_ROWS,), jnp.float32),
        ],
        compiler_params=pltpu.CompilerParams(needs_layout_passes=False),
    )
    def deg(dst_hbm, out_hbm, dst_v, deg_v):
        cid = lax.axis_index("c")
        sid = lax.axis_index("s")
        wid = sid * NC + cid
        pltpu.sync_copy(dst_hbm.at[wid], dst_v)

        def zstep(i, carry):
            deg_v[pl.ds(pl.multiple_of(i * 16, 16), 16)] = jnp.zeros((16,), jnp.float32)
            return carry

        lax.fori_loop(0, ACC_ROWS // 16, zstep, 0)
        ones = jnp.ones((16,), jnp.float32)

        def estep(j, carry):
            idx = dst_v[pl.ds(pl.multiple_of(j * 16, 16), 16)]
            plsc.addupdate_scatter(deg_v, [idx], ones)
            return carry

        lax.fori_loop(0, ept // 16, estep, 0)
        pltpu.sync_copy(deg_v, out_hbm.at[wid])

    return deg


def _dense_body(relu, agg_a, agg_b, degt, h, wn, ws, b, o_ref):
    deg = jnp.maximum(jnp.sum(degt[...], axis=1, keepdims=True), 1.0)
    agg = (agg_a[...] + agg_b[...]) / deg
    y = (jnp.dot(agg, wn[...], preferred_element_type=jnp.float32)
         + jnp.dot(h[...], ws[...], preferred_element_type=jnp.float32)
         + b[...])
    o_ref[...] = jnp.maximum(y, 0.0) if relu else y


def _make_dense(relu):
    bn = 1000
    grid = N_NODES // bn
    return pl.pallas_call(
        functools.partial(_dense_body, relu),
        grid=(grid,),
        in_specs=[
            pl.BlockSpec((bn, FEAT), lambda i: (i, 0)),
            pl.BlockSpec((bn, FEAT), lambda i: (i, 0)),
            pl.BlockSpec((bn, NW), lambda i: (i, 0)),
            pl.BlockSpec((bn, FEAT), lambda i: (i, 0)),
            pl.BlockSpec((FEAT, FEAT), lambda i: (0, 0)),
            pl.BlockSpec((FEAT, FEAT), lambda i: (0, 0)),
            pl.BlockSpec((1, FEAT), lambda i: (0, 0)),
        ],
        out_specs=pl.BlockSpec((bn, FEAT), lambda i: (i, 0)),
        out_shape=jax.ShapeDtypeStruct((N_NODES, FEAT), jnp.float32),
    )


def _pool_body(agg_a, agg_b, degt, h2, wn, ws, b, gw, gb, rw, rb, bids, o_ref):
    deg = jnp.maximum(jnp.sum(degt[...], axis=1, keepdims=True), 1.0)
    agg = (agg_a[...] + agg_b[...]) / deg
    h3 = (jnp.dot(agg, wn[...], preferred_element_type=jnp.float32)
          + jnp.dot(h2[...], ws[...], preferred_element_type=jnp.float32)
          + b[...])
    gate = jnp.dot(h3, gw[...], preferred_element_type=jnp.float32) + gb[...]
    gids = lax.broadcasted_iota(jnp.int32, (N_NODES, G), 1)
    mask = bids[...] == gids
    maskf = mask.astype(jnp.float32)
    gmax = jnp.max(jnp.where(mask, gate, -1e30), axis=0, keepdims=True)
    gmax_n = jnp.sum(jnp.where(mask, gmax, 0.0), axis=1, keepdims=True)
    e = jnp.exp(gate - gmax_n)
    denom = jnp.sum(e * maskf, axis=0, keepdims=True)
    denom_n = jnp.sum(jnp.where(mask, denom, 0.0), axis=1, keepdims=True)
    wgt = e / denom_n
    wm = maskf * wgt
    pooled = lax.dot_general(wm, h3, (((0,), (0,)), ((), ())),
                             preferred_element_type=jnp.float32)
    o_ref[...] = jnp.tanh(
        jnp.dot(pooled, rw[...], preferred_element_type=jnp.float32) + rb[...])


_pool = pl.pallas_call(
    _pool_body,
    out_shape=jax.ShapeDtypeStruct((G, OUT), jnp.float32),
)


def kernel(x, edge_index, batch, Wn1, Ws1, b1, Wn2, Ws2, b2, Wn3, Ws3, b3,
           gate_W, gate_b, reg_W, reg_b):
    e = edge_index.shape[1]
    src = edge_index[0]
    dst = edge_index[1]

    cpt_sum = -(-e // (NS * CHUNK))
    cpt0 = max(1, min(cpt_sum - 1, round(SPLIT0 * cpt_sum)))
    cpt1 = cpt_sum - cpt0
    pad = NS * cpt_sum * CHUNK - e

    def blocks(a, padval):
        ap = jnp.concatenate([a, jnp.full((pad,), padval, a.dtype)])
        c0 = ap[:NS * cpt0 * CHUNK].reshape(NS, 1, cpt0, CHUNK)
        c1 = ap[NS * cpt0 * CHUNK:].reshape(NS, 1, cpt1, CHUNK)
        cptm = max(cpt0, cpt1)
        c0 = jnp.pad(c0, ((0, 0), (0, 0), (0, cptm - cpt0), (0, 0)))
        c1 = jnp.pad(c1, ((0, 0), (0, 0), (0, cptm - cpt1), (0, 0)))
        return jnp.concatenate([c0, c1], axis=1).reshape(NW, cptm, CHUNK)

    src_p = blocks(src, 0)
    dst_p = blocks(dst, N_NODES)

    ept_deg = -(-e // NW // 16) * 16
    padd = NW * ept_deg - e
    dst_flat = jnp.concatenate(
        [dst, jnp.full((padd,), N_NODES, jnp.int32)]).reshape(NW, ept_deg) if padd \
        else dst.reshape(NW, ept_deg)
    zeros = jnp.zeros((ACC_ROWS, FEAT), jnp.float32)

    agg_call = _make_agg((cpt0, cpt1))
    deg_call = _make_deg(ept_deg)

    degp = deg_call(dst_flat)
    degt = degp.T[:N_NODES]

    def split(slab):
        a = lax.slice(slab, (0, 0), (N_NODES, FEAT))
        b = lax.slice(slab, (ACC_ROWS, 0), (ACC_ROWS + N_NODES, FEAT))
        return a, b

    b1r = b1.reshape(1, FEAT)
    b2r = b2.reshape(1, FEAT)
    b3r = b3.reshape(1, FEAT)

    a1a, a1b = split(agg_call(x, src_p, dst_p, zeros))
    h1 = _make_dense(True)(a1a, a1b, degt, x, Wn1, Ws1, b1r)
    a2a, a2b = split(agg_call(h1, src_p, dst_p, zeros))
    h2 = _make_dense(True)(a2a, a2b, degt, h1, Wn2, Ws2, b2r)
    a3a, a3b = split(agg_call(h2, src_p, dst_p, zeros))
    out = _pool(a3a, a3b, degt, h2, Wn3, Ws3, b3r,
                gate_W, gate_b.reshape(1, 1), reg_W, reg_b.reshape(1, OUT),
                batch.reshape(N_NODES, 1))
    return out

# --- scband reference (transcript-rebuilt; emitter-appended) ---
"""Pipeline reference for scband-gnn-89378269430054 (READ-ONLY COPY).

The authoritative reference and input builder live on the scoring server;
editing this copy changes nothing except your own understanding.
"""

import jax, jax.numpy as jnp
import numpy as np

N = 10000
E = 320000
D = 128
H = 128
G = 16
OUT = 3

def setup_inputs(seed: int = 0) -> dict:
    key = jax.random.key(seed)
    ks = jax.random.split(key, 20)
    x = jax.random.normal(ks[0], (N, D), dtype=jnp.float32)
    edge_index = jax.random.randint(ks[1], (2, E), 0, N, dtype=jnp.int32)
    batch = jnp.sort(jax.random.randint(ks[2], (N,), 0, G, dtype=jnp.int32))
    def lin(k, fan_in, fan_out):
        s = 1.0 / np.sqrt(fan_in)
        return jax.random.uniform(k, (fan_in, fan_out), dtype=jnp.float32, minval=-s, maxval=s)
    inp = {
        'x': x, 'edge_index': edge_index, 'batch': batch,
        'Wn1': lin(ks[3], D, H), 'Ws1': lin(ks[4], D, H), 'b1': jnp.zeros((H,), jnp.float32),
        'Wn2': lin(ks[5], H, H), 'Ws2': lin(ks[6], H, H), 'b2': jnp.zeros((H,), jnp.float32),
        'Wn3': lin(ks[7], H, H), 'Ws3': lin(ks[8], H, H), 'b3': jnp.zeros((H,), jnp.float32),
        'gate_W': lin(ks[9], H, 1), 'gate_b': jnp.zeros((1,), jnp.float32),
        'reg_W': lin(ks[10], H, OUT), 'reg_b': jnp.zeros((OUT,), jnp.float32),
    }
    return inp

def reference(x, edge_index, batch, Wn1, Ws1, b1, Wn2, Ws2, b2, Wn3, Ws3, b3, gate_W, gate_b, reg_W, reg_b):
    src = edge_index[0]
    dst = edge_index[1]
    deg = jax.ops.segment_sum(jnp.ones((src.shape[0],), jnp.float32), dst, num_segments=N)
    deg = jnp.clip(deg, 1.0, None)[:, None]
    def sage(h, Wn, Ws, b):
        agg = jax.ops.segment_sum(h[src], dst, num_segments=N) / deg
        return agg @ Wn + h @ Ws + b
    h = jax.nn.relu(sage(x, Wn1, Ws1, b1))
    h = jax.nn.relu(sage(h, Wn2, Ws2, b2))
    h = sage(h, Wn3, Ws3, b3)
    # AttentionalAggregation: per-graph softmax over gate scores, weighted sum
    gate = (h @ gate_W + gate_b)[:, 0]
    gmax = jax.ops.segment_max(gate, batch, num_segments=G)
    e = jnp.exp(gate - gmax[batch])
    denom = jax.ops.segment_sum(e, batch, num_segments=G)
    w = e / denom[batch]
    pooled = jax.ops.segment_sum(h * w[:, None], batch, num_segments=G)
    out = jnp.tanh(pooled @ reg_W + reg_b)
    return out

if __name__ == "__main__":
    import jax
    _d = setup_inputs()
    print(jax.jit(kernel)(*tuple(_d.values())))

</pallas_src>

<mosaic_0001>
#map = affine_map<(d0, d1) -> (0, 0)>
#map1 = affine_map<(d0, d1) -> (0, 0, 0)>
module attributes {stable_mosaic.version = 14 : i64} {
  func.func @agg(%arg0: i32, %arg1: i32, %arg2: memref<10000x128xf32, #tpu.memory_space<hbm>>, %arg3: memref<32x102x128xi32, #tpu.memory_space<hbm>>, %arg4: memref<32x102x128xi32, #tpu.memory_space<hbm>>, %arg5: memref<10240x128xf32, #tpu.memory_space<hbm>>, %arg6: memref<20480x128xf32, #tpu.memory_space<hbm>>, %arg7: memref<102x128xi32, #tpu.memory_space<vmem>>, %arg8: memref<102x128xi32, #tpu.memory_space<vmem>>, %arg9: memref<128x128xf32, #tpu.memory_space<vmem>>, %arg10: memref<10240x128xf32, #tpu.memory_space<vmem_shared>>, %arg11: memref<!tpu.dma_semaphore, #tpu.memory_space<semaphore_mem>>) attributes {dimension_semantics = [#tpu.dimension_semantics<core_parallel>, #tpu.dimension_semantics<subcore_parallel>], iteration_bounds = array<i64: 2, 16>, scalar_prefetch = 0 : i64, scratch_operands = 5 : i64, tpu.core_type = #tpu.core_type<sc_vector_subcore>, window_params = [{transform_indices = #map}, {transform_indices = #map1}, {transform_indices = #map1}, {transform_indices = #map}, {transform_indices = #map}]} {
    %mul3A = arith.constant 2 : i32
    %mul3A_0 = arith.muli %arg1, %mul3A : i32
    %add3A = arith.addi %mul3A_0, %arg0 : i32
    %mul3A_1 = arith.constant 640 : i32
    %mul3A_2 = arith.muli %arg1, %mul3A_1 : i32
    %eq3A = arith.constant 0 : i32
    %eq3A_3 = arith.cmpi eq, %arg0, %eq3A : i32
    %jit3A = arith.constant 102 : i32
    %jit3A_4 = arith.constant 55 : i32
    %select_n3A = arith.select %eq3A_3, %jit3A, %jit3A_4 : i32
    "tpu.region"() ({
      %run_scoped3A = tpu.sem_alloc : memref<!tpu.dma_semaphore, #tpu.memory_space<semaphore_mem>>
      %dma_start3A = arith.constant 0 : i32
      %dma_start3A_18 = tpu.memref_slice %arg10[%mul3A_2, %dma_start3A] : memref<10240x128xf32, #tpu.memory_space<vmem_shared>> -> memref<640x128xf32, #tpu.memory_space<vmem_shared>>
      %dma_start3A_19 = arith.constant 0 : i32
      %dma_start3A_20 = tpu.memref_slice %arg5[%mul3A_2, %dma_start3A_19] : memref<10240x128xf32, #tpu.memory_space<hbm>> -> memref<640x128xf32, #tpu.memory_space<hbm>>
      tpu.enqueue_dma source(%dma_start3A_20 : memref<640x128xf32, #tpu.memory_space<hbm>>) target(%dma_start3A_18 : memref<640x128xf32, #tpu.memory_space<vmem_shared>>) target_semaphore(%run_scoped3A : memref<!tpu.dma_semaphore, #tpu.memory_space<semaphore_mem>>)
      %dma_wait3A = arith.constant 0 : i32
      %dma_wait3A_21 = tpu.memref_slice %arg10[%mul3A_2, %dma_wait3A] : memref<10240x128xf32, #tpu.memory_space<vmem_shared>> -> memref<640x128xf32, #tpu.memory_space<vmem_shared>>
      %dma_wait3A_22 = arith.constant 0 : i32
      %dma_wait3A_23 = tpu.memref_slice %arg5[%mul3A_2, %dma_wait3A_22] : memref<10240x128xf32, #tpu.memory_space<hbm>> -> memref<640x128xf32, #tpu.memory_space<hbm>>
      tpu.wait_dma2 semaphore(%run_scoped3A : memref<!tpu.dma_semaphore, #tpu.memory_space<semaphore_mem>>) src(%dma_wait3A_23 : memref<640x128xf32, #tpu.memory_space<hbm>>) dst(%dma_wait3A_21 : memref<640x128xf32, #tpu.memory_space<vmem_shared>>)
      tpu.yield
    }) : () -> ()
    "tpu.region"() ({
      %run_scoped3A = tpu.sem_alloc : memref<!tpu.dma_semaphore, #tpu.memory_space<semaphore_mem>>
      %dma_start3A = arith.constant 0 : i32
      %dma_start3A_18 = arith.constant 0 : i32
      %dma_start3A_19 = tpu.memref_slice %arg3[%add3A, %dma_start3A, %dma_start3A_18] : memref<32x102x128xi32, #tpu.memory_space<hbm>> -> memref<1x102x128xi32, #tpu.memory_space<hbm>>
      %dma_start3A_20 = tpu.memref_squeeze %dma_start3A_19 : memref<1x102x128xi32, #tpu.memory_space<hbm>> -> memref<102x128xi32, #tpu.memory_space<hbm>>
      %dma_start3A_21 = arith.constant 0 : i32
      %dma_start3A_22 = arith.constant 0 : i32
      %dma_start3A_23 = tpu.memref_slice %arg3[%add3A, %dma_start3A_21, %dma_start3A_22] : memref<32x102x128xi32, #tpu.memory_space<hbm>> -> memref<1x102x128xi32, #tpu.memory_space<hbm>>
      %dma_start3A_24 = tpu.memref_squeeze %dma_start3A_23 : memref<1x102x128xi32, #tpu.memory_space<hbm>> -> memref<102x128xi32, #tpu.memory_space<hbm>>
      tpu.enqueue_dma source(%dma_start3A_24 : memref<102x128xi32, #tpu.memory_space<hbm>>) target(%arg7 : memref<102x128xi32, #tpu.memory_space<vmem>>) target_semaphore(%run_scoped3A : memref<!tpu.dma_semaphore, #tpu.memory_space<semaphore_mem>>)
      %dma_wait3A = arith.constant 0 : i32
      %dma_wait3A_25 = arith.constant 0 : i32
      %dma_wait3A_26 = tpu.memref_slice %arg3[%add3A, %dma_wait3A, %dma_wait3A_25] : memref<32x102x128xi32, #tpu.memory_space<hbm>> -> memref<1x102x128xi32, #tpu.memory_space<hbm>>
      %dma_wait3A_27 = tpu.memref_squeeze %dma_wait3A_26 : memref<1x102x128xi32, #tpu.memory_space<hbm>> -> memref<102x128xi32, #tpu.memory_space<hbm>>
      %dma_wait3A_28 = arith.constant 0 : i32
      %dma_wait3A_29 = arith.constant 0 : i32
      %dma_wait3A_30 = tpu.memref_slice %arg3[%add3A, %dma_wait3A_28, %dma_wait3A_29] : memref<32x102x128xi32, #tpu.memory_space<hbm>> -> memref<1x102x128xi32, #tpu.memory_space<hbm>>
      %dma_wait3A_31 = tpu.memref_squeeze %dma_wait3A_30 : memref<1x102x128xi32, #tpu.memory_space<hbm>> -> memref<102x128xi32, #tpu.memory_space<hbm>>
      tpu.wait_dma2 semaphore(%run_scoped3A : memref<!tpu.dma_semaphore, #tpu.memory_space<semaphore_mem>>) src(%dma_wait3A_31 : memref<102x128xi32, #tpu.memory_space<hbm>>) dst(%arg7 : memref<102x128xi32, #tpu.memory_space<vmem>>)
      tpu.yield
    }) : () -> ()
    "tpu.region"() ({
      %run_scoped3A = tpu.sem_alloc : memref<!tpu.dma_semaphore, #tpu.memory_space<semaphore_mem>>
      %dma_start3A = arith.constant 0 : i32
      %dma_start3A_18 = arith.constant 0 : i32
      %dma_start3A_19 = tpu.memref_slice %arg4[%add3A, %dma_start3A, %dma_start3A_18] : memref<32x102x128xi32, #tpu.memory_space<hbm>> -> memref<1x102x128xi32, #tpu.memory_space<hbm>>
      %dma_start3A_20 = tpu.memref_squeeze %dma_start3A_19 : memref<1x102x128xi32, #tpu.memory_space<hbm>> -> memref<102x128xi32, #tpu.memory_space<hbm>>
      %dma_start3A_21 = arith.constant 0 : i32
      %dma_start3A_22 = arith.constant 0 : i32
      %dma_start3A_23 = tpu.memref_slice %arg4[%add3A, %dma_start3A_21, %dma_start3A_22] : memref<32x102x128xi32, #tpu.memory_space<hbm>> -> memref<1x102x128xi32, #tpu.memory_space<hbm>>
      %dma_start3A_24 = tpu.memref_squeeze %dma_start3A_23 : memref<1x102x128xi32, #tpu.memory_space<hbm>> -> memref<102x128xi32, #tpu.memory_space<hbm>>
      tpu.enqueue_dma source(%dma_start3A_24 : memref<102x128xi32, #tpu.memory_space<hbm>>) target(%arg8 : memref<102x128xi32, #tpu.memory_space<vmem>>) target_semaphore(%run_scoped3A : memref<!tpu.dma_semaphore, #tpu.memory_space<semaphore_mem>>)
      %dma_wait3A = arith.constant 0 : i32
      %dma_wait3A_25 = arith.constant 0 : i32
      %dma_wait3A_26 = tpu.memref_slice %arg4[%add3A, %dma_wait3A, %dma_wait3A_25] : memref<32x102x128xi32, #tpu.memory_space<hbm>> -> memref<1x102x128xi32, #tpu.memory_space<hbm>>
      %dma_wait3A_27 = tpu.memref_squeeze %dma_wait3A_26 : memref<1x102x128xi32, #tpu.memory_space<hbm>> -> memref<102x128xi32, #tpu.memory_space<hbm>>
      %dma_wait3A_28 = arith.constant 0 : i32
      %dma_wait3A_29 = arith.constant 0 : i32
      %dma_wait3A_30 = tpu.memref_slice %arg4[%add3A, %dma_wait3A_28, %dma_wait3A_29] : memref<32x102x128xi32, #tpu.memory_space<hbm>> -> memref<1x102x128xi32, #tpu.memory_space<hbm>>
      %dma_wait3A_31 = tpu.memref_squeeze %dma_wait3A_30 : memref<1x102x128xi32, #tpu.memory_space<hbm>> -> memref<102x128xi32, #tpu.memory_space<hbm>>
      tpu.wait_dma2 semaphore(%run_scoped3A : memref<!tpu.dma_semaphore, #tpu.memory_space<semaphore_mem>>) src(%dma_wait3A_31 : memref<102x128xi32, #tpu.memory_space<hbm>>) dst(%arg8 : memref<102x128xi32, #tpu.memory_space<vmem>>)
      tpu.yield
    }) : () -> ()
    %barrier3A = arith.constant 0 : index
    tpu.barrier barrier_id(%barrier3A)
    %while3A = arith.constant 0 : i32
    %while3A_5 = arith.constant 0 : i32
    %while3A_6 = arith.subi %select_n3A, %while3A_5 : i32
    %while3A_7 = arith.addi %while3A_5, %while3A_6 : i32
    %while3A_8 = arith.constant 1 : i32
    %while3A_9 = arith.divsi %while3A_6, %while3A_8 : i32
    %while3A_10 = arith.muli %while3A_9, %while3A_8 : i32
    %while3A_11 = arith.addi %while3A_5, %while3A_10 : i32
    %while3A_12 = arith.constant 1 : i32
    scf.for %while3A_18 = %while3A_5 to %while3A_11 step %while3A_12  : i32 {
      %dma_start3A = arith.constant 0 : i32
      %dma_start3A_19 = tpu.memref_slice %arg7[%while3A_18, %dma_start3A] : memref<102x128xi32, #tpu.memory_space<vmem>> -> memref<1x128xi32, #tpu.memory_space<vmem>>
      %dma_start3A_20 = tpu.memref_squeeze %dma_start3A_19 : memref<1x128xi32, #tpu.memory_space<vmem>> -> memref<128xi32, #tpu.memory_space<vmem>>
      %dma_start3A_21 = arith.constant 0 : i32
      %dma_start3A_22 = arith.constant 0 : i32
      %dma_start3A_23 = tpu.memref_slice %arg2[%dma_start3A_21, %dma_start3A_22] : memref<10000x128xf32, #tpu.memory_space<hbm>> -> memref<10000x128xf32, #tpu.memory_space<hbm>>
      tpu.enqueue_indirect_dma source(%dma_start3A_23 : memref<10000x128xf32, #tpu.memory_space<hbm>>) target(%arg9 : memref<128x128xf32, #tpu.memory_space<vmem>>) offsets(%dma_start3A_20 : memref<128xi32, #tpu.memory_space<vmem>>) semaphore(%arg11 : memref<!tpu.dma_semaphore, #tpu.memory_space<semaphore_mem>>)
      %dma_wait3A = arith.constant 0 : i32
      %dma_wait3A_24 = tpu.memref_slice %arg7[%while3A_18, %dma_wait3A] : memref<102x128xi32, #tpu.memory_space<vmem>> -> memref<1x128xi32, #tpu.memory_space<vmem>>
      %dma_wait3A_25 = tpu.memref_squeeze %dma_wait3A_24 : memref<1x128xi32, #tpu.memory_space<vmem>> -> memref<128xi32, #tpu.memory_space<vmem>>
      %dma_wait3A_26 = arith.constant 0 : i32
      %dma_wait3A_27 = arith.constant 0 : i32
      %dma_wait3A_28 = tpu.memref_slice %arg2[%dma_wait3A_26, %dma_wait3A_27] : memref<10000x128xf32, #tpu.memory_space<hbm>> -> memref<10000x128xf32, #tpu.memory_space<hbm>>
      tpu.wait_indirect_dma semaphore(%arg11 : memref<!tpu.dma_semaphore, #tpu.memory_space<semaphore_mem>>) src(%dma_wait3A_28 : memref<10000x128xf32, #tpu.memory_space<hbm>>) dst(%arg9 : memref<128x128xf32, #tpu.memory_space<vmem>>)
      "tpu.region"() ({
        %run_scoped3A = tpu.sem_alloc : memref<!tpu.dma_semaphore, #tpu.memory_space<semaphore_mem>>
        %dma_start3A_29 = arith.constant 0 : i32
        %dma_start3A_30 = tpu.memref_slice %arg8[%while3A_18, %dma_start3A_29] : memref<102x128xi32, #tpu.memory_space<vmem>> -> memref<1x128xi32, #tpu.memory_space<vmem>>
        %dma_start3A_31 = tpu.memref_squeeze %dma_start3A_30 : memref<1x128xi32, #tpu.memory_space<vmem>> -> memref<128xi32, #tpu.memory_space<vmem>>
        %dma_start3A_32 = arith.constant 0 : i32
        %dma_start3A_33 = arith.constant 0 : i32
        %dma_start3A_34 = tpu.memref_slice %arg10[%dma_start3A_32, %dma_start3A_33] : memref<10240x128xf32, #tpu.memory_space<vmem_shared>> -> memref<10240x128xf32, #tpu.memory_space<vmem_shared>>
        tpu.enqueue_indirect_dma source(%arg9 : memref<128x128xf32, #tpu.memory_space<vmem>>) target(%dma_start3A_34 : memref<10240x128xf32, #tpu.memory_space<vmem_shared>>) offsets(%dma_start3A_31 : memref<128xi32, #tpu.memory_space<vmem>>) semaphore(%run_scoped3A : memref<!tpu.dma_semaphore, #tpu.memory_space<semaphore_mem>>) {add = true}
        %dma_wait3A_35 = arith.constant 0 : i32
        %dma_wait3A_36 = tpu.memref_slice %arg8[%while3A_18, %dma_wait3A_35] : memref<102x128xi32, #tpu.memory_space<vmem>> -> memref<1x128xi32, #tpu.memory_space<vmem>>
        %dma_wait3A_37 = tpu.memref_squeeze %dma_wait3A_36 : memref<1x128xi32, #tpu.memory_space<vmem>> -> memref<128xi32, #tpu.memory_space<vmem>>
        %dma_wait3A_38 = arith.constant 0 : i32
        %dma_wait3A_39 = arith.constant 0 : i32
        %dma_wait3A_40 = tpu.memref_slice %arg10[%dma_wait3A_38, %dma_wait3A_39] : memref<10240x128xf32, #tpu.memory_space<vmem_shared>> -> memref<10240x128xf32, #tpu.memory_space<vmem_shared>>
        tpu.wait_indirect_dma semaphore(%run_scoped3A : memref<!tpu.dma_semaphore, #tpu.memory_space<semaphore_mem>>) src(%arg9 : memref<128x128xf32, #tpu.memory_space<vmem>>) dst(%dma_wait3A_40 : memref<10240x128xf32, #tpu.memory_space<vmem_shared>>)
        tpu.yield
      }) : () -> ()
    }
    %while3A_13 = arith.constant 1 : i32
    scf.for %while3A_18 = %while3A_11 to %while3A_7 step %while3A_13  : i32 {
      %dma_start3A = arith.constant 0 : i32
      %dma_start3A_19 = tpu.memref_slice %arg7[%while3A_18, %dma_start3A] : memref<102x128xi32, #tpu.memory_space<vmem>> -> memref<1x128xi32, #tpu.memory_space<vmem>>
      %dma_start3A_20 = tpu.memref_squeeze %dma_start3A_19 : memref<1x128xi32, #tpu.memory_space<vmem>> -> memref<128xi32, #tpu.memory_space<vmem>>
      %dma_start3A_21 = arith.constant 0 : i32
      %dma_start3A_22 = arith.constant 0 : i32
      %dma_start3A_23 = tpu.memref_slice %arg2[%dma_start3A_21, %dma_start3A_22] : memref<10000x128xf32, #tpu.memory_space<hbm>> -> memref<10000x128xf32, #tpu.memory_space<hbm>>
      tpu.enqueue_indirect_dma source(%dma_start3A_23 : memref<10000x128xf32, #tpu.memory_space<hbm>>) target(%arg9 : memref<128x128xf32, #tpu.memory_space<vmem>>) offsets(%dma_start3A_20 : memref<128xi32, #tpu.memory_space<vmem>>) semaphore(%arg11 : memref<!tpu.dma_semaphore, #tpu.memory_space<semaphore_mem>>)
      %dma_wait3A = arith.constant 0 : i32
      %dma_wait3A_24 = tpu.memref_slice %arg7[%while3A_18, %dma_wait3A] : memref<102x128xi32, #tpu.memory_space<vmem>> -> memref<1x128xi32, #tpu.memory_space<vmem>>
      %dma_wait3A_25 = tpu.memref_squeeze %dma_wait3A_24 : memref<1x128xi32, #tpu.memory_space<vmem>> -> memref<128xi32, #tpu.memory_space<vmem>>
      %dma_wait3A_26 = arith.constant 0 : i32
      %dma_wait3A_27 = arith.constant 0 : i32
      %dma_wait3A_28 = tpu.memref_slice %arg2[%dma_wait3A_26, %dma_wait3A_27] : memref<10000x128xf32, #tpu.memory_space<hbm>> -> memref<10000x128xf32, #tpu.memory_space<hbm>>
      tpu.wait_indirect_dma semaphore(%arg11 : memref<!tpu.dma_semaphore, #tpu.memory_space<semaphore_mem>>) src(%dma_wait3A_28 : memref<10000x128xf32, #tpu.memory_space<hbm>>) dst(%arg9 : memref<128x128xf32, #tpu.memory_space<vmem>>)
      "tpu.region"() ({
        %run_scoped3A = tpu.sem_alloc : memref<!tpu.dma_semaphore, #tpu.memory_space<semaphore_mem>>
        %dma_start3A_29 = arith.constant 0 : i32
        %dma_start3A_30 = tpu.memref_slice %arg8[%while3A_18, %dma_start3A_29] : memref<102x128xi32, #tpu.memory_space<vmem>> -> memref<1x128xi32, #tpu.memory_space<vmem>>
        %dma_start3A_31 = tpu.memref_squeeze %dma_start3A_30 : memref<1x128xi32, #tpu.memory_space<vmem>> -> memref<128xi32, #tpu.memory_space<vmem>>
        %dma_start3A_32 = arith.constant 0 : i32
        %dma_start3A_33 = arith.constant 0 : i32
        %dma_start3A_34 = tpu.memref_slice %arg10[%dma_start3A_32, %dma_start3A_33] : memref<10240x128xf32, #tpu.memory_space<vmem_shared>> -> memref<10240x128xf32, #tpu.memory_space<vmem_shared>>
        tpu.enqueue_indirect_dma source(%arg9 : memref<128x128xf32, #tpu.memory_space<vmem>>) target(%dma_start3A_34 : memref<10240x128xf32, #tpu.memory_space<vmem_shared>>) offsets(%dma_start3A_31 : memref<128xi32, #tpu.memory_space<vmem>>) semaphore(%run_scoped3A : memref<!tpu.dma_semaphore, #tpu.memory_space<semaphore_mem>>) {add = true}
        %dma_wait3A_35 = arith.constant 0 : i32
        %dma_wait3A_36 = tpu.memref_slice %arg8[%while3A_18, %dma_wait3A_35] : memref<102x128xi32, #tpu.memory_space<vmem>> -> memref<1x128xi32, #tpu.memory_space<vmem>>
        %dma_wait3A_37 = tpu.memref_squeeze %dma_wait3A_36 : memref<1x128xi32, #tpu.memory_space<vmem>> -> memref<128xi32, #tpu.memory_space<vmem>>
        %dma_wait3A_38 = arith.constant 0 : i32
        %dma_wait3A_39 = arith.constant 0 : i32
        %dma_wait3A_40 = tpu.memref_slice %arg10[%dma_wait3A_38, %dma_wait3A_39] : memref<10240x128xf32, #tpu.memory_space<vmem_shared>> -> memref<10240x128xf32, #tpu.memory_space<vmem_shared>>
        tpu.wait_indirect_dma semaphore(%run_scoped3A : memref<!tpu.dma_semaphore, #tpu.memory_space<semaphore_mem>>) src(%arg9 : memref<128x128xf32, #tpu.memory_space<vmem>>) dst(%dma_wait3A_40 : memref<10240x128xf32, #tpu.memory_space<vmem_shared>>)
        tpu.yield
      }) : () -> ()
    }
    %barrier3A_14 = arith.constant 0 : index
    tpu.barrier barrier_id(%barrier3A_14)
    %mul3A_15 = arith.constant 10240 : i32
    %mul3A_16 = arith.muli %arg0, %mul3A_15 : i32
    %add3A_17 = arith.addi %mul3A_16, %mul3A_2 : i32
    "tpu.region"() ({
      %run_scoped3A = tpu.sem_alloc : memref<!tpu.dma_semaphore, #tpu.memory_space<semaphore_mem>>
      %dma_start3A = arith.constant 0 : i32
      %dma_start3A_18 = tpu.memref_slice %arg6[%add3A_17, %dma_start3A] : memref<20480x128xf32, #tpu.memory_space<hbm>> -> memref<640x128xf32, #tpu.memory_space<hbm>>
      %dma_start3A_19 = arith.constant 0 : i32
      %dma_start3A_20 = tpu.memref_slice %arg10[%mul3A_2, %dma_start3A_19] : memref<10240x128xf32, #tpu.memory_space<vmem_shared>> -> memref<640x128xf32, #tpu.memory_space<vmem_shared>>
      tpu.enqueue_dma source(%dma_start3A_20 : memref<640x128xf32, #tpu.memory_space<vmem_shared>>) target(%dma_start3A_18 : memref<640x128xf32, #tpu.memory_space<hbm>>) target_semaphore(%run_scoped3A : memref<!tpu.dma_semaphore, #tpu.memory_space<semaphore_mem>>)
      %dma_wait3A = arith.constant 0 : i32
      %dma_wait3A_21 = tpu.memref_slice %arg6[%add3A_17, %dma_wait3A] : memref<20480x128xf32, #tpu.memory_space<hbm>> -> memref<640x128xf32, #tpu.memory_space<hbm>>
      %dma_wait3A_22 = arith.constant 0 : i32
      %dma_wait3A_23 = tpu.memref_slice %arg10[%mul3A_2, %dma_wait3A_22] : memref<10240x128xf32, #tpu.memory_space<vmem_shared>> -> memref<640x128xf32, #tpu.memory_space<vmem_shared>>
      tpu.wait_dma2 semaphore(%run_scoped3A : memref<!tpu.dma_semaphore, #tpu.memory_space<semaphore_mem>>) src(%dma_wait3A_23 : memref<640x128xf32, #tpu.memory_space<vmem_shared>>) dst(%dma_wait3A_21 : memref<640x128xf32, #tpu.memory_space<hbm>>)
      tpu.yield
    }) : () -> ()
    return
  }
}

#map = affine_map<(d0, d1) -> (0, 0)>
module attributes {stable_mosaic.version = 14 : i64} {
  func.func @deg(%arg0: i32, %arg1: i32, %arg2: memref<32x10000xi32, #tpu.memory_space<hbm>>, %arg3: memref<32x10240xf32, #tpu.memory_space<hbm>>, %arg4: memref<10000xi32, #tpu.memory_space<vmem>>, %arg5: memref<10240xf32, #tpu.memory_space<vmem>>) attributes {dimension_semantics = [#tpu.dimension_semantics<core_parallel>, #tpu.dimension_semantics<subcore_parallel>], iteration_bounds = array<i64: 2, 16>, scalar_prefetch = 0 : i64, scratch_operands = 2 : i64, tpu.core_type = #tpu.core_type<sc_vector_subcore>, window_params = [{transform_indices = #map}, {transform_indices = #map}]} {
    %mul3A = arith.constant 2 : i32
    %mul3A_0 = arith.muli %arg1, %mul3A : i32
    %add3A = arith.addi %mul3A_0, %arg0 : i32
    "tpu.region"() ({
      %run_scoped3A = tpu.sem_alloc : memref<!tpu.dma_semaphore, #tpu.memory_space<semaphore_mem>>
      %dma_start3A = arith.constant 0 : i32
      %dma_start3A_13 = tpu.memref_slice %arg2[%add3A, %dma_start3A] : memref<32x10000xi32, #tpu.memory_space<hbm>> -> memref<1x10000xi32, #tpu.memory_space<hbm>>
      %dma_start3A_14 = tpu.memref_squeeze %dma_start3A_13 : memref<1x10000xi32, #tpu.memory_space<hbm>> -> memref<10000xi32, #tpu.memory_space<hbm>>
      %dma_start3A_15 = arith.constant 0 : i32
      %dma_start3A_16 = tpu.memref_slice %arg2[%add3A, %dma_start3A_15] : memref<32x10000xi32, #tpu.memory_space<hbm>> -> memref<1x10000xi32, #tpu.memory_space<hbm>>
      %dma_start3A_17 = tpu.memref_squeeze %dma_start3A_16 : memref<1x10000xi32, #tpu.memory_space<hbm>> -> memref<10000xi32, #tpu.memory_space<hbm>>
      tpu.enqueue_dma source(%dma_start3A_17 : memref<10000xi32, #tpu.memory_space<hbm>>) target(%arg4 : memref<10000xi32, #tpu.memory_space<vmem>>) target_semaphore(%run_scoped3A : memref<!tpu.dma_semaphore, #tpu.memory_space<semaphore_mem>>)
      %dma_wait3A = arith.constant 0 : i32
      %dma_wait3A_18 = tpu.memref_slice %arg2[%add3A, %dma_wait3A] : memref<32x10000xi32, #tpu.memory_space<hbm>> -> memref<1x10000xi32, #tpu.memory_space<hbm>>
      %dma_wait3A_19 = tpu.memref_squeeze %dma_wait3A_18 : memref<1x10000xi32, #tpu.memory_space<hbm>> -> memref<10000xi32, #tpu.memory_space<hbm>>
      %dma_wait3A_20 = arith.constant 0 : i32
      %dma_wait3A_21 = tpu.memref_slice %arg2[%add3A, %dma_wait3A_20] : memref<32x10000xi32, #tpu.memory_space<hbm>> -> memref<1x10000xi32, #tpu.memory_space<hbm>>
      %dma_wait3A_22 = tpu.memref_squeeze %dma_wait3A_21 : memref<1x10000xi32, #tpu.memory_space<hbm>> -> memref<10000xi32, #tpu.memory_space<hbm>>
      tpu.wait_dma2 semaphore(%run_scoped3A : memref<!tpu.dma_semaphore, #tpu.memory_space<semaphore_mem>>) src(%dma_wait3A_22 : memref<10000xi32, #tpu.memory_space<hbm>>) dst(%arg4 : memref<10000xi32, #tpu.memory_space<vmem>>)
      tpu.yield
    }) : () -> ()
    %scan3A = arith.constant 0 : i32
    %scan3A_1 = arith.constant 0 : i32
    %scan3A_2 = arith.constant 640 : i32
    %scan3A_3 = arith.addi %scan3A_1, %scan3A_2 : i32
    %scan3A_4 = arith.constant 1 : i32
    scf.for %scan3A_13 = %scan3A_1 to %scan3A_3 step %scan3A_4  : i32 {
      %broadcast_in_dim3A_14 = arith.constant 0.000000e+00 : f32
      %broadcast_in_dim3A_15 = vector.broadcast %broadcast_in_dim3A_14 : f32 to vector<16xf32>
      %mul3A_16 = arith.constant 16 : i32
      %mul3A_17 = arith.muli %scan3A_13, %mul3A_16 : i32
      %multiple_of3A = tpu.assume_multiple %mul3A_17, 16 : i32
      %swap3A = arith.index_cast %multiple_of3A : i32 to index
      %swap3A_18 = tpu.vector_load %arg5[%swap3A] {strides = array<i32>} : memref<10240xf32, #tpu.memory_space<vmem>>, vector<16xf32>,
      tpu.vector_store %arg5[%swap3A], %broadcast_in_dim3A_15 {strides = array<i32>} : memref<10240xf32, #tpu.memory_space<vmem>>, vector<16xf32>,
    }
    %scan3A_5 = arith.constant 640 : i32
    %broadcast_in_dim3A = arith.constant 1.000000e+00 : f32
    %broadcast_in_dim3A_6 = vector.broadcast %broadcast_in_dim3A : f32 to vector<16xf32>
    %scan3A_7 = arith.constant 0 : i32
    %scan3A_8 = arith.constant 0 : i32
    %scan3A_9 = arith.constant 625 : i32
    %scan3A_10 = arith.addi %scan3A_8, %scan3A_9 : i32
    %scan3A_11 = arith.constant 1 : i32
    scf.for %scan3A_13 = %scan3A_8 to %scan3A_10 step %scan3A_11  : i32 {
      %mul3A_14 = arith.constant 16 : i32
      %mul3A_15 = arith.muli %scan3A_13, %mul3A_14 : i32
      %multiple_of3A = tpu.assume_multiple %mul3A_15, 16 : i32
      %get3A = arith.index_cast %multiple_of3A : i32 to index
      %get3A_16 = tpu.vector_load %arg4[%get3A] {strides = array<i32>} : memref<10000xi32, #tpu.memory_space<vmem>>, vector<16xi32>,
      tpu.vector_store_idx %arg5[%get3A_16], %broadcast_in_dim3A_6 {add = true} : memref<10240xf32, #tpu.memory_space<vmem>>[vector<16xi32>], vector<16xf32>,
    }
    %scan3A_12 = arith.constant 625 : i32
    "tpu.region"() ({
      %run_scoped3A = tpu.sem_alloc : memref<!tpu.dma_semaphore, #tpu.memory_space<semaphore_mem>>
      %dma_start3A = arith.constant 0 : i32
      %dma_start3A_13 = tpu.memref_slice %arg3[%add3A, %dma_start3A] : memref<32x10240xf32, #tpu.memory_space<hbm>> -> memref<1x10240xf32, #tpu.memory_space<hbm>>
      %dma_start3A_14 = tpu.memref_squeeze %dma_start3A_13 : memref<1x10240xf32, #tpu.memory_space<hbm>> -> memref<10240xf32, #tpu.memory_space<hbm>>
      %dma_start3A_15 = arith.constant 0 : i32
      %dma_start3A_16 = tpu.memref_slice %arg3[%add3A, %dma_start3A_15] : memref<32x10240xf32, #tpu.memory_space<hbm>> -> memref<1x10240xf32, #tpu.memory_space<hbm>>
      %dma_start3A_17 = tpu.memref_squeeze %dma_start3A_16 : memref<1x10240xf32, #tpu.memory_space<hbm>> -> memref<10240xf32, #tpu.memory_space<hbm>>
      tpu.enqueue_dma source(%arg5 : memref<10240xf32, #tpu.memory_space<vmem>>) target(%dma_start3A_17 : memref<10240xf32, #tpu.memory_space<hbm>>) target_semaphore(%run_scoped3A : memref<!tpu.dma_semaphore, #tpu.memory_space<semaphore_mem>>)
      %dma_wait3A = arith.constant 0 : i32
      %dma_wait3A_18 = tpu.memref_slice %arg3[%add3A, %dma_wait3A] : memref<32x10240xf32, #tpu.memory_space<hbm>> -> memref<1x10240xf32, #tpu.memory_space<hbm>>
      %dma_wait3A_19 = tpu.memref_squeeze %dma_wait3A_18 : memref<1x10240xf32, #tpu.memory_space<hbm>> -> memref<10240xf32, #tpu.memory_space<hbm>>
      %dma_wait3A_20 = arith.constant 0 : i32
      %dma_wait3A_21 = tpu.memref_slice %arg3[%add3A, %dma_wait3A_20] : memref<32x10240xf32, #tpu.memory_space<hbm>> -> memref<1x10240xf32, #tpu.memory_space<hbm>>
      %dma_wait3A_22 = tpu.memref_squeeze %dma_wait3A_21 : memref<1x10240xf32, #tpu.memory_space<hbm>> -> memref<10240xf32, #tpu.memory_space<hbm>>
      tpu.wait_dma2 semaphore(%run_scoped3A : memref<!tpu.dma_semaphore, #tpu.memory_space<semaphore_mem>>) src(%arg5 : memref<10240xf32, #tpu.memory_space<vmem>>) dst(%dma_wait3A_22 : memref<10240xf32, #tpu.memory_space<hbm>>)
      tpu.yield
    }) : () -> ()
    return
  }
}

#map = affine_map<(d0, d1) -> (0, 0)>
#map1 = affine_map<(d0, d1) -> (0, 0, 0)>
module attributes {stable_mosaic.version = 14 : i64} {
  func.func @agg(%arg0: i32, %arg1: i32, %arg2: memref<10000x128xf32, #tpu.memory_space<hbm>>, %arg3: memref<32x102x128xi32, #tpu.memory_space<hbm>>, %arg4: memref<32x102x128xi32, #tpu.memory_space<hbm>>, %arg5: memref<10240x128xf32, #tpu.memory_space<hbm>>, %arg6: memref<20480x128xf32, #tpu.memory_space<hbm>>, %arg7: memref<102x128xi32, #tpu.memory_space<vmem>>, %arg8: memref<102x128xi32, #tpu.memory_space<vmem>>, %arg9: memref<128x128xf32, #tpu.memory_space<vmem>>, %arg10: memref<10240x128xf32, #tpu.memory_space<vmem_shared>>, %arg11: memref<!tpu.dma_semaphore, #tpu.memory_space<semaphore_mem>>) attributes {dimension_semantics = [#tpu.dimension_semantics<core_parallel>, #tpu.dimension_semantics<subcore_parallel>], iteration_bounds = array<i64: 2, 16>, scalar_prefetch = 0 : i64, scratch_operands = 5 : i64, tpu.core_type = #tpu.core_type<sc_vector_subcore>, window_params = [{transform_indices = #map}, {transform_indices = #map1}, {transform_indices = #map1}, {transform_indices = #map}, {transform_indices = #map}]} {
    %mul3A = arith.constant 2 : i32
    %mul3A_0 = arith.muli %arg1, %mul3A : i32
    %add3A = arith.addi %mul3A_0, %arg0 : i32
    %mul3A_1 = arith.constant 640 : i32
    %mul3A_2 = arith.muli %arg1, %mul3A_1 : i32
    %eq3A = arith.constant 0 : i32
    %eq3A_3 = arith.cmpi eq, %arg0, %eq3A : i32
    %jit3A = arith.constant 102 : i32
    %jit3A_4 = arith.constant 55 : i32
    %select_n3A = arith.select %eq3A_3, %jit3A, %jit3A_4 : i32
    "tpu.region"() ({
      %run_scoped3A = tpu.sem_alloc : memref<!tpu.dma_semaphore, #tpu.memory_space<semaphore_mem>>
      %dma_start3A = arith.constant 0 : i32
      %dma_start3A_18 = tpu.memref_slice %arg10[%mul3A_2, %dma_start3A] : memref<10240x128xf32, #tpu.memory_space<vmem_shared>> -> memref<640x128xf32, #tpu.memory_space<vmem_shared>>
      %dma_start3A_19 = arith.constant 0 : i32
      %dma_start3A_20 = tpu.memref_slice %arg5[%mul3A_2, %dma_start3A_19] : memref<10240x128xf32, #tpu.memory_space<hbm>> -> memref<640x128xf32, #tpu.memory_space<hbm>>
      tpu.enqueue_dma source(%dma_start3A_20 : memref<640x128xf32, #tpu.memory_space<hbm>>) target(%dma_start3A_18 : memref<640x128xf32, #tpu.memory_space<vmem_shared>>) target_semaphore(%run_scoped3A : memref<!tpu.dma_semaphore, #tpu.memory_space<semaphore_mem>>)
      %dma_wait3A = arith.constant 0 : i32
      %dma_wait3A_21 = tpu.memref_slice %arg10[%mul3A_2, %dma_wait3A] : memref<10240x128xf32, #tpu.memory_space<vmem_shared>> -> memref<640x128xf32, #tpu.memory_space<vmem_shared>>
      %dma_wait3A_22 = arith.constant 0 : i32
      %dma_wait3A_23 = tpu.memref_slice %arg5[%mul3A_2, %dma_wait3A_22] : memref<10240x128xf32, #tpu.memory_space<hbm>> -> memref<640x128xf32, #tpu.memory_space<hbm>>
      tpu.wait_dma2 semaphore(%run_scoped3A : memref<!tpu.dma_semaphore, #tpu.memory_space<semaphore_mem>>) src(%dma_wait3A_23 : memref<640x128xf32, #tpu.memory_space<hbm>>) dst(%dma_wait3A_21 : memref<640x128xf32, #tpu.memory_space<vmem_shared>>)
      tpu.yield
    }) : () -> ()
    "tpu.region"() ({
      %run_scoped3A = tpu.sem_alloc : memref<!tpu.dma_semaphore, #tpu.memory_space<semaphore_mem>>
      %dma_start3A = arith.constant 0 : i32
      %dma_start3A_18 = arith.constant 0 : i32
      %dma_start3A_19 = tpu.memref_slice %arg3[%add3A, %dma_start3A, %dma_start3A_18] : memref<32x102x128xi32, #tpu.memory_space<hbm>> -> memref<1x102x128xi32, #tpu.memory_space<hbm>>
      %dma_start3A_20 = tpu.memref_squeeze %dma_start3A_19 : memref<1x102x128xi32, #tpu.memory_space<hbm>> -> memref<102x128xi32, #tpu.memory_space<hbm>>
      %dma_start3A_21 = arith.constant 0 : i32
      %dma_start3A_22 = arith.constant 0 : i32
      %dma_start3A_23 = tpu.memref_slice %arg3[%add3A, %dma_start3A_21, %dma_start3A_22] : memref<32x102x128xi32, #tpu.memory_space<hbm>> -> memref<1x102x128xi32, #tpu.memory_space<hbm>>
      %dma_start3A_24 = tpu.memref_squeeze %dma_start3A_23 : memref<1x102x128xi32, #tpu.memory_space<hbm>> -> memref<102x128xi32, #tpu.memory_space<hbm>>
      tpu.enqueue_dma source(%dma_start3A_24 : memref<102x128xi32, #tpu.memory_space<hbm>>) target(%arg7 : memref<102x128xi32, #tpu.memory_space<vmem>>) target_semaphore(%run_scoped3A : memref<!tpu.dma_semaphore, #tpu.memory_space<semaphore_mem>>)
      %dma_wait3A = arith.constant 0 : i32
      %dma_wait3A_25 = arith.constant 0 : i32
      %dma_wait3A_26 = tpu.memref_slice %arg3[%add3A, %dma_wait3A, %dma_wait3A_25] : memref<32x102x128xi32, #tpu.memory_space<hbm>> -> memref<1x102x128xi32, #tpu.memory_space<hbm>>
      %dma_wait3A_27 = tpu.memref_squeeze %dma_wait3A_26 : memref<1x102x128xi32, #tpu.memory_space<hbm>> -> memref<102x128xi32, #tpu.memory_space<hbm>>
      %dma_wait3A_28 = arith.constant 0 : i32
      %dma_wait3A_29 = arith.constant 0 : i32
      %dma_wait3A_30 = tpu.memref_slice %arg3[%add3A, %dma_wait3A_28, %dma_wait3A_29] : memref<32x102x128xi32, #tpu.memory_space<hbm>> -> memref<1x102x128xi32, #tpu.memory_space<hbm>>
      %dma_wait3A_31 = tpu.memref_squeeze %dma_wait3A_30 : memref<1x102x128xi32, #tpu.memory_space<hbm>> -> memref<102x128xi32, #tpu.memory_space<hbm>>
      tpu.wait_dma2 semaphore(%run_scoped3A : memref<!tpu.dma_semaphore, #tpu.memory_space<semaphore_mem>>) src(%dma_wait3A_31 : memref<102x128xi32, #tpu.memory_space<hbm>>) dst(%arg7 : memref<102x128xi32, #tpu.memory_space<vmem>>)
      tpu.yield
    }) : () -> ()
    "tpu.region"() ({
      %run_scoped3A = tpu.sem_alloc : memref<!tpu.dma_semaphore, #tpu.memory_space<semaphore_mem>>
      %dma_start3A = arith.constant 0 : i32
      %dma_start3A_18 = arith.constant 0 : i32
      %dma_start3A_19 = tpu.memref_slice %arg4[%add3A, %dma_start3A, %dma_start3A_18] : memref<32x102x128xi32, #tpu.memory_space<hbm>> -> memref<1x102x128xi32, #tpu.memory_space<hbm>>
      %dma_start3A_20 = tpu.memref_squeeze %dma_start3A_19 : memref<1x102x128xi32, #tpu.memory_space<hbm>> -> memref<102x128xi32, #tpu.memory_space<hbm>>
      %dma_start3A_21 = arith.constant 0 : i32
      %dma_start3A_22 = arith.constant 0 : i32
      %dma_start3A_23 = tpu.memref_slice %arg4[%add3A, %dma_start3A_21, %dma_start3A_22] : memref<32x102x128xi32, #tpu.memory_space<hbm>> -> memref<1x102x128xi32, #tpu.memory_space<hbm>>
      %dma_start3A_24 = tpu.memref_squeeze %dma_start3A_23 : memref<1x102x128xi32, #tpu.memory_space<hbm>> -> memref<102x128xi32, #tpu.memory_space<hbm>>
      tpu.enqueue_dma source(%dma_start3A_24 : memref<102x128xi32, #tpu.memory_space<hbm>>) target(%arg8 : memref<102x128xi32, #tpu.memory_space<vmem>>) target_semaphore(%run_scoped3A : memref<!tpu.dma_semaphore, #tpu.memory_space<semaphore_mem>>)
      %dma_wait3A = arith.constant 0 : i32
      %dma_wait3A_25 = arith.constant 0 : i32
      %dma_wait3A_26 = tpu.memref_slice %arg4[%add3A, %dma_wait3A, %dma_wait3A_25] : memref<32x102x128xi32, #tpu.memory_space<hbm>> -> memref<1x102x128xi32, #tpu.memory_space<hbm>>
      %dma_wait3A_27 = tpu.memref_squeeze %dma_wait3A_26 : memref<1x102x128xi32, #tpu.memory_space<hbm>> -> memref<102x128xi32, #tpu.memory_space<hbm>>
      %dma_wait3A_28 = arith.constant 0 : i32
      %dma_wait3A_29 = arith.constant 0 : i32
      %dma_wait3A_30 = tpu.memref_slice %arg4[%add3A, %dma_wait3A_28, %dma_wait3A_29] : memref<32x102x128xi32, #tpu.memory_space<hbm>> -> memref<1x102x128xi32, #tpu.memory_space<hbm>>
      %dma_wait3A_31 = tpu.memref_squeeze %dma_wait3A_30 : memref<1x102x128xi32, #tpu.memory_space<hbm>> -> memref<102x128xi32, #tpu.memory_space<hbm>>
      tpu.wait_dma2 semaphore(%run_scoped3A : memref<!tpu.dma_semaphore, #tpu.memory_space<semaphore_mem>>) src(%dma_wait3A_31 : memref<102x128xi32, #tpu.memory_space<hbm>>) dst(%arg8 : memref<102x128xi32, #tpu.memory_space<vmem>>)
      tpu.yield
    }) : () -> ()
    %barrier3A = arith.constant 0 : index
    tpu.barrier barrier_id(%barrier3A)
    %while3A = arith.constant 0 : i32
    %while3A_5 = arith.constant 0 : i32
    %while3A_6 = arith.subi %select_n3A, %while3A_5 : i32
    %while3A_7 = arith.addi %while3A_5, %while3A_6 : i32
    %while3A_8 = arith.constant 1 : i32
    %while3A_9 = arith.divsi %while3A_6, %while3A_8 : i32
    %while3A_10 = arith.muli %while3A_9, %while3A_8 : i32
    %while3A_11 = arith.addi %while3A_5, %while3A_10 : i32
    %while3A_12 = arith.constant 1 : i32
    scf.for %while3A_18 = %while3A_5 to %while3A_11 step %while3A_12  : i32 {
      %dma_start3A = arith.constant 0 : i32
      %dma_start3A_19 = tpu.memref_slice %arg7[%while3A_18, %dma_start3A] : memref<102x128xi32, #tpu.memory_space<vmem>> -> memref<1x128xi32, #tpu.memory_space<vmem>>
      %dma_start3A_20 = tpu.memref_squeeze %dma_start3A_19 : memref<1x128xi32, #tpu.memory_space<vmem>> -> memref<128xi32, #tpu.memory_space<vmem>>
      %dma_start3A_21 = arith.constant 0 : i32
      %dma_start3A_22 = arith.constant 0 : i32
      %dma_start3A_23 = tpu.memref_slice %arg2[%dma_start3A_21, %dma_start3A_22] : memref<10000x128xf32, #tpu.memory_space<hbm>> -> memref<10000x128xf32, #tpu.memory_space<hbm>>
      tpu.enqueue_indirect_dma source(%dma_start3A_23 : memref<10000x128xf32, #tpu.memory_space<hbm>>) target(%arg9 : memref<128x128xf32, #tpu.memory_space<vmem>>) offsets(%dma_start3A_20 : memref<128xi32, #tpu.memory_space<vmem>>) semaphore(%arg11 : memref<!tpu.dma_semaphore, #tpu.memory_space<semaphore_mem>>)
      %dma_wait3A = arith.constant 0 : i32
      %dma_wait3A_24 = tpu.memref_slice %arg7[%while3A_18, %dma_wait3A] : memref<102x128xi32, #tpu.memory_space<vmem>> -> memref<1x128xi32, #tpu.memory_space<vmem>>
      %dma_wait3A_25 = tpu.memref_squeeze %dma_wait3A_24 : memref<1x128xi32, #tpu.memory_space<vmem>> -> memref<128xi32, #tpu.memory_space<vmem>>
      %dma_wait3A_26 = arith.constant 0 : i32
      %dma_wait3A_27 = arith.constant 0 : i32
      %dma_wait3A_28 = tpu.memref_slice %arg2[%dma_wait3A_26, %dma_wait3A_27] : memref<10000x128xf32, #tpu.memory_space<hbm>> -> memref<10000x128xf32, #tpu.memory_space<hbm>>
      tpu.wait_indirect_dma semaphore(%arg11 : memref<!tpu.dma_semaphore, #tpu.memory_space<semaphore_mem>>) src(%dma_wait3A_28 : memref<10000x128xf32, #tpu.memory_space<hbm>>) dst(%arg9 : memref<128x128xf32, #tpu.memory_space<vmem>>)
      "tpu.region"() ({
        %run_scoped3A = tpu.sem_alloc : memref<!tpu.dma_semaphore, #tpu.memory_space<semaphore_mem>>
        %dma_start3A_29 = arith.constant 0 : i32
        %dma_start3A_30 = tpu.memref_slice %arg8[%while3A_18, %dma_start3A_29] : memref<102x128xi32, #tpu.memory_space<vmem>> -> memref<1x128xi32, #tpu.memory_space<vmem>>
        %dma_start3A_31 = tpu.memref_squeeze %dma_start3A_30 : memref<1x128xi32, #tpu.memory_space<vmem>> -> memref<128xi32, #tpu.memory_space<vmem>>
        %dma_start3A_32 = arith.constant 0 : i32
        %dma_start3A_33 = arith.constant 0 : i32
        %dma_start3A_34 = tpu.memref_slice %arg10[%dma_start3A_32, %dma_start3A_33] : memref<10240x128xf32, #tpu.memory_space<vmem_shared>> -> memref<10240x128xf32, #tpu.memory_space<vmem_shared>>
        tpu.enqueue_indirect_dma source(%arg9 : memref<128x128xf32, #tpu.memory_space<vmem>>) target(%dma_start3A_34 : memref<10240x128xf32, #tpu.memory_space<vmem_shared>>) offsets(%dma_start3A_31 : memref<128xi32, #tpu.memory_space<vmem>>) semaphore(%run_scoped3A : memref<!tpu.dma_semaphore, #tpu.memory_space<semaphore_mem>>) {add = true}
        %dma_wait3A_35 = arith.constant 0 : i32
        %dma_wait3A_36 = tpu.memref_slice %arg8[%while3A_18, %dma_wait3A_35] : memref<102x128xi32, #tpu.memory_space<vmem>> -> memref<1x128xi32, #tpu.memory_space<vmem>>
        %dma_wait3A_37 = tpu.memref_squeeze %dma_wait3A_36 : memref<1x128xi32, #tpu.memory_space<vmem>> -> memref<128xi32, #tpu.memory_space<vmem>>
        %dma_wait3A_38 = arith.constant 0 : i32
        %dma_wait3A_39 = arith.constant 0 : i32
        %dma_wait3A_40 = tpu.memref_slice %arg10[%dma_wait3A_38, %dma_wait3A_39] : memref<10240x128xf32, #tpu.memory_space<vmem_shared>> -> memref<10240x128xf32, #tpu.memory_space<vmem_shared>>
        tpu.wait_indirect_dma semaphore(%run_scoped3A : memref<!tpu.dma_semaphore, #tpu.memory_space<semaphore_mem>>) src(%arg9 : memref<128x128xf32, #tpu.memory_space<vmem>>) dst(%dma_wait3A_40 : memref<10240x128xf32, #tpu.memory_space<vmem_shared>>)
        tpu.yield
      }) : () -> ()
    }
    %while3A_13 = arith.constant 1 : i32
    scf.for %while3A_18 = %while3A_11 to %while3A_7 step %while3A_13  : i32 {
      %dma_start3A = arith.constant 0 : i32
      %dma_start3A_19 = tpu.memref_slice %arg7[%while3A_18, %dma_start3A] : memref<102x128xi32, #tpu.memory_space<vmem>> -> memref<1x128xi32, #tpu.memory_space<vmem>>
      %dma_start3A_20 = tpu.memref_squeeze %dma_start3A_19 : memref<1x128xi32, #tpu.memory_space<vmem>> -> memref<128xi32, #tpu.memory_space<vmem>>
      %dma_start3A_21 = arith.constant 0 : i32
      %dma_start3A_22 = arith.constant 0 : i32
      %dma_start3A_23 = tpu.memref_slice %arg2[%dma_start3A_21, %dma_start3A_22] : memref<10000x128xf32, #tpu.memory_space<hbm>> -> memref<10000x128xf32, #tpu.memory_space<hbm>>
      tpu.enqueue_indirect_dma source(%dma_start3A_23 : memref<10000x128xf32, #tpu.memory_space<hbm>>) target(%arg9 : memref<128x128xf32, #tpu.memory_space<vmem>>) offsets(%dma_start3A_20 : memref<128xi32, #tpu.memory_space<vmem>>) semaphore(%arg11 : memref<!tpu.dma_semaphore, #tpu.memory_space<semaphore_mem>>)
      %dma_wait3A = arith.constant 0 : i32
      %dma_wait3A_24 = tpu.memref_slice %arg7[%while3A_18, %dma_wait3A] : memref<102x128xi32, #tpu.memory_space<vmem>> -> memref<1x128xi32, #tpu.memory_space<vmem>>
      %dma_wait3A_25 = tpu.memref_squeeze %dma_wait3A_24 : memref<1x128xi32, #tpu.memory_space<vmem>> -> memref<128xi32, #tpu.memory_space<vmem>>
      %dma_wait3A_26 = arith.constant 0 : i32
      %dma_wait3A_27 = arith.constant 0 : i32
      %dma_wait3A_28 = tpu.memref_slice %arg2[%dma_wait3A_26, %dma_wait3A_27] : memref<10000x128xf32, #tpu.memory_space<hbm>> -> memref<10000x128xf32, #tpu.memory_space<hbm>>
      tpu.wait_indirect_dma semaphore(%arg11 : memref<!tpu.dma_semaphore, #tpu.memory_space<semaphore_mem>>) src(%dma_wait3A_28 : memref<10000x128xf32, #tpu.memory_space<hbm>>) dst(%arg9 : memref<128x128xf32, #tpu.memory_space<vmem>>)
      "tpu.region"() ({
        %run_scoped3A = tpu.sem_alloc : memref<!tpu.dma_semaphore, #tpu.memory_space<semaphore_mem>>
        %dma_start3A_29 = arith.constant 0 : i32
        %dma_start3A_30 = tpu.memref_slice %arg8[%while3A_18, %dma_start3A_29] : memref<102x128xi32, #tpu.memory_space<vmem>> -> memref<1x128xi32, #tpu.memory_space<vmem>>
        %dma_start3A_31 = tpu.memref_squeeze %dma_start3A_30 : memref<1x128xi32, #tpu.memory_space<vmem>> -> memref<128xi32, #tpu.memory_space<vmem>>
        %dma_start3A_32 = arith.constant 0 : i32
        %dma_start3A_33 = arith.constant 0 : i32
        %dma_start3A_34 = tpu.memref_slice %arg10[%dma_start3A_32, %dma_start3A_33] : memref<10240x128xf32, #tpu.memory_space<vmem_shared>> -> memref<10240x128xf32, #tpu.memory_space<vmem_shared>>
        tpu.enqueue_indirect_dma source(%arg9 : memref<128x128xf32, #tpu.memory_space<vmem>>) target(%dma_start3A_34 : memref<10240x128xf32, #tpu.memory_space<vmem_shared>>) offsets(%dma_start3A_31 : memref<128xi32, #tpu.memory_space<vmem>>) semaphore(%run_scoped3A : memref<!tpu.dma_semaphore, #tpu.memory_space<semaphore_mem>>) {add = true}
        %dma_wait3A_35 = arith.constant 0 : i32
        %dma_wait3A_36 = tpu.memref_slice %arg8[%while3A_18, %dma_wait3A_35] : memref<102x128xi32, #tpu.memory_space<vmem>> -> memref<1x128xi32, #tpu.memory_space<vmem>>
        %dma_wait3A_37 = tpu.memref_squeeze %dma_wait3A_36 : memref<1x128xi32, #tpu.memory_space<vmem>> -> memref<128xi32, #tpu.memory_space<vmem>>
        %dma_wait3A_38 = arith.constant 0 : i32
        %dma_wait3A_39 = arith.constant 0 : i32
        %dma_wait3A_40 = tpu.memref_slice %arg10[%dma_wait3A_38, %dma_wait3A_39] : memref<10240x128xf32, #tpu.memory_space<vmem_shared>> -> memref<10240x128xf32, #tpu.memory_space<vmem_shared>>
        tpu.wait_indirect_dma semaphore(%run_scoped3A : memref<!tpu.dma_semaphore, #tpu.memory_space<semaphore_mem>>) src(%arg9 : memref<128x128xf32, #tpu.memory_space<vmem>>) dst(%dma_wait3A_40 : memref<10240x128xf32, #tpu.memory_space<vmem_shared>>)
        tpu.yield
      }) : () -> ()
    }
    %barrier3A_14 = arith.constant 0 : index
    tpu.barrier barrier_id(%barrier3A_14)
    %mul3A_15 = arith.constant 10240 : i32
    %mul3A_16 = arith.muli %arg0, %mul3A_15 : i32
    %add3A_17 = arith.addi %mul3A_16, %mul3A_2 : i32
    "tpu.region"() ({
      %run_scoped3A = tpu.sem_alloc : memref<!tpu.dma_semaphore, #tpu.memory_space<semaphore_mem>>
      %dma_start3A = arith.constant 0 : i32
      %dma_start3A_18 = tpu.memref_slice %arg6[%add3A_17, %dma_start3A] : memref<20480x128xf32, #tpu.memory_space<hbm>> -> memref<640x128xf32, #tpu.memory_space<hbm>>
      %dma_start3A_19 = arith.constant 0 : i32
      %dma_start3A_20 = tpu.memref_slice %arg10[%mul3A_2, %dma_start3A_19] : memref<10240x128xf32, #tpu.memory_space<vmem_shared>> -> memref<640x128xf32, #tpu.memory_space<vmem_shared>>
      tpu.enqueue_dma source(%dma_start3A_20 : memref<640x128xf32, #tpu.memory_space<vmem_shared>>) target(%dma_start3A_18 : memref<640x128xf32, #tpu.memory_space<hbm>>) target_semaphore(%run_scoped3A : memref<!tpu.dma_semaphore, #tpu.memory_space<semaphore_mem>>)
      %dma_wait3A = arith.constant 0 : i32
      %dma_wait3A_21 = tpu.memref_slice %arg6[%add3A_17, %dma_wait3A] : memref<20480x128xf32, #tpu.memory_space<hbm>> -> memref<640x128xf32, #tpu.memory_space<hbm>>
      %dma_wait3A_22 = arith.constant 0 : i32
      %dma_wait3A_23 = tpu.memref_slice %arg10[%mul3A_2, %dma_wait3A_22] : memref<10240x128xf32, #tpu.memory_space<vmem_shared>> -> memref<640x128xf32, #tpu.memory_space<vmem_shared>>
      tpu.wait_dma2 semaphore(%run_scoped3A : memref<!tpu.dma_semaphore, #tpu.memory_space<semaphore_mem>>) src(%dma_wait3A_23 : memref<640x128xf32, #tpu.memory_space<vmem_shared>>) dst(%dma_wait3A_21 : memref<640x128xf32, #tpu.memory_space<hbm>>)
      tpu.yield
    }) : () -> ()
    return
  }
}

#map = affine_map<(d0, d1) -> (0, 0)>
#map1 = affine_map<(d0, d1) -> (0, 0, 0)>
module attributes {stable_mosaic.version = 14 : i64} {
  func.func @agg(%arg0: i32, %arg1: i32, %arg2: memref<10000x128xf32, #tpu.memory_space<hbm>>, %arg3: memref<32x102x128xi32, #tpu.memory_space<hbm>>, %arg4: memref<32x102x128xi32, #tpu.memory_space<hbm>>, %arg5: memref<10240x128xf32, #tpu.memory_space<hbm>>, %arg6: memref<20480x128xf32, #tpu.memory_space<hbm>>, %arg7: memref<102x128xi32, #tpu.memory_space<vmem>>, %arg8: memref<102x128xi32, #tpu.memory_space<vmem>>, %arg9: memref<128x128xf32, #tpu.memory_space<vmem>>, %arg10: memref<10240x128xf32, #tpu.memory_space<vmem_shared>>, %arg11: memref<!tpu.dma_semaphore, #tpu.memory_space<semaphore_mem>>) attributes {dimension_semantics = [#tpu.dimension_semantics<core_parallel>, #tpu.dimension_semantics<subcore_parallel>], iteration_bounds = array<i64: 2, 16>, scalar_prefetch = 0 : i64, scratch_operands = 5 : i64, tpu.core_type = #tpu.core_type<sc_vector_subcore>, window_params = [{transform_indices = #map}, {transform_indices = #map1}, {transform_indices = #map1}, {transform_indices = #map}, {transform_indices = #map}]} {
    %mul3A = arith.constant 2 : i32
    %mul3A_0 = arith.muli %arg1, %mul3A : i32
    %add3A = arith.addi %mul3A_0, %arg0 : i32
    %mul3A_1 = arith.constant 640 : i32
    %mul3A_2 = arith.muli %arg1, %mul3A_1 : i32
    %eq3A = arith.constant 0 : i32
    %eq3A_3 = arith.cmpi eq, %arg0, %eq3A : i32
    %jit3A = arith.constant 102 : i32
    %jit3A_4 = arith.constant 55 : i32
    %select_n3A = arith.select %eq3A_3, %jit3A, %jit3A_4 : i32
    "tpu.region"() ({
      %run_scoped3A = tpu.sem_alloc : memref<!tpu.dma_semaphore, #tpu.memory_space<semaphore_mem>>
      %dma_start3A = arith.constant 0 : i32
      %dma_start3A_18 = tpu.memref_slice %arg10[%mul3A_2, %dma_start3A] : memref<10240x128xf32, #tpu.memory_space<vmem_shared>> -> memref<640x128xf32, #tpu.memory_space<vmem_shared>>
      %dma_start3A_19 = arith.constant 0 : i32
      %dma_start3A_20 = tpu.memref_slice %arg5[%mul3A_2, %dma_start3A_19] : memref<10240x128xf32, #tpu.memory_space<hbm>> -> memref<640x128xf32, #tpu.memory_space<hbm>>
      tpu.enqueue_dma source(%dma_start3A_20 : memref<640x128xf32, #tpu.memory_space<hbm>>) target(%dma_start3A_18 : memref<640x128xf32, #tpu.memory_space<vmem_shared>>) target_semaphore(%run_scoped3A : memref<!tpu.dma_semaphore, #tpu.memory_space<semaphore_mem>>)
      %dma_wait3A = arith.constant 0 : i32
      %dma_wait3A_21 = tpu.memref_slice %arg10[%mul3A_2, %dma_wait3A] : memref<10240x128xf32, #tpu.memory_space<vmem_shared>> -> memref<640x128xf32, #tpu.memory_space<vmem_shared>>
      %dma_wait3A_22 = arith.constant 0 : i32
      %dma_wait3A_23 = tpu.memref_slice %arg5[%mul3A_2, %dma_wait3A_22] : memref<10240x128xf32, #tpu.memory_space<hbm>> -> memref<640x128xf32, #tpu.memory_space<hbm>>
      tpu.wait_dma2 semaphore(%run_scoped3A : memref<!tpu.dma_semaphore, #tpu.memory_space<semaphore_mem>>) src(%dma_wait3A_23 : memref<640x128xf32, #tpu.memory_space<hbm>>) dst(%dma_wait3A_21 : memref<640x128xf32, #tpu.memory_space<vmem_shared>>)
      tpu.yield
    }) : () -> ()
    "tpu.region"() ({
      %run_scoped3A = tpu.sem_alloc : memref<!tpu.dma_semaphore, #tpu.memory_space<semaphore_mem>>
      %dma_start3A = arith.constant 0 : i32
      %dma_start3A_18 = arith.constant 0 : i32
      %dma_start3A_19 = tpu.memref_slice %arg3[%add3A, %dma_start3A, %dma_start3A_18] : memref<32x102x128xi32, #tpu.memory_space<hbm>> -> memref<1x102x128xi32, #tpu.memory_space<hbm>>
      %dma_start3A_20 = tpu.memref_squeeze %dma_start3A_19 : memref<1x102x128xi32, #tpu.memory_space<hbm>> -> memref<102x128xi32, #tpu.memory_space<hbm>>
      %dma_start3A_21 = arith.constant 0 : i32
      %dma_start3A_22 = arith.constant 0 : i32
      %dma_start3A_23 = tpu.memref_slice %arg3[%add3A, %dma_start3A_21, %dma_start3A_22] : memref<32x102x128xi32, #tpu.memory_space<hbm>> -> memref<1x102x128xi32, #tpu.memory_space<hbm>>
      %dma_start3A_24 = tpu.memref_squeeze %dma_start3A_23 : memref<1x102x128xi32, #tpu.memory_space<hbm>> -> memref<102x128xi32, #tpu.memory_space<hbm>>
      tpu.enqueue_dma source(%dma_start3A_24 : memref<102x128xi32, #tpu.memory_space<hbm>>) target(%arg7 : memref<102x128xi32, #tpu.memory_space<vmem>>) target_semaphore(%run_scoped3A : memref<!tpu.dma_semaphore, #tpu.memory_space<semaphore_mem>>)
      %dma_wait3A = arith.constant 0 : i32
      %dma_wait3A_25 = arith.constant 0 : i32
      %dma_wait3A_26 = tpu.memref_slice %arg3[%add3A, %dma_wait3A, %dma_wait3A_25] : memref<32x102x128xi32, #tpu.memory_space<hbm>> -> memref<1x102x128xi32, #tpu.memory_space<hbm>>
      %dma_wait3A_27 = tpu.memref_squeeze %dma_wait3A_26 : memref<1x102x128xi32, #tpu.memory_space<hbm>> -> memref<102x128xi32, #tpu.memory_space<hbm>>
      %dma_wait3A_28 = arith.constant 0 : i32
      %dma_wait3A_29 = arith.constant 0 : i32
      %dma_wait3A_30 = tpu.memref_slice %arg3[%add3A, %dma_wait3A_28, %dma_wait3A_29] : memref<32x102x128xi32, #tpu.memory_space<hbm>> -> memref<1x102x128xi32, #tpu.memory_space<hbm>>
      %dma_wait3A_31 = tpu.memref_squeeze %dma_wait3A_30 : memref<1x102x128xi32, #tpu.memory_space<hbm>> -> memref<102x128xi32, #tpu.memory_space<hbm>>
      tpu.wait_dma2 semaphore(%run_scoped3A : memref<!tpu.dma_semaphore, #tpu.memory_space<semaphore_mem>>) src(%dma_wait3A_31 : memref<102x128xi32, #tpu.memory_space<hbm>>) dst(%arg7 : memref<102x128xi32, #tpu.memory_space<vmem>>)
      tpu.yield
    }) : () -> ()
    "tpu.region"() ({
      %run_scoped3A = tpu.sem_alloc : memref<!tpu.dma_semaphore, #tpu.memory_space<semaphore_mem>>
      %dma_start3A = arith.constant 0 : i32
      %dma_start3A_18 = arith.constant 0 : i32
      %dma_start3A_19 = tpu.memref_slice %arg4[%add3A, %dma_start3A, %dma_start3A_18] : memref<32x102x128xi32, #tpu.memory_space<hbm>> -> memref<1x102x128xi32, #tpu.memory_space<hbm>>
      %dma_start3A_20 = tpu.memref_squeeze %dma_start3A_19 : memref<1x102x128xi32, #tpu.memory_space<hbm>> -> memref<102x128xi32, #tpu.memory_space<hbm>>
      %dma_start3A_21 = arith.constant 0 : i32
      %dma_start3A_22 = arith.constant 0 : i32
      %dma_start3A_23 = tpu.memref_slice %arg4[%add3A, %dma_start3A_21, %dma_start3A_22] : memref<32x102x128xi32, #tpu.memory_space<hbm>> -> memref<1x102x128xi32, #tpu.memory_space<hbm>>
      %dma_start3A_24 = tpu.memref_squeeze %dma_start3A_23 : memref<1x102x128xi32, #tpu.memory_space<hbm>> -> memref<102x128xi32, #tpu.memory_space<hbm>>
      tpu.enqueue_dma source(%dma_start3A_24 : memref<102x128xi32, #tpu.memory_space<hbm>>) target(%arg8 : memref<102x128xi32, #tpu.memory_space<vmem>>) target_semaphore(%run_scoped3A : memref<!tpu.dma_semaphore, #tpu.memory_space<semaphore_mem>>)
      %dma_wait3A = arith.constant 0 : i32
      %dma_wait3A_25 = arith.constant 0 : i32
      %dma_wait3A_26 = tpu.memref_slice %arg4[%add3A, %dma_wait3A, %dma_wait3A_25] : memref<32x102x128xi32, #tpu.memory_space<hbm>> -> memref<1x102x128xi32, #tpu.memory_space<hbm>>
      %dma_wait3A_27 = tpu.memref_squeeze %dma_wait3A_26 : memref<1x102x128xi32, #tpu.memory_space<hbm>> -> memref<102x128xi32, #tpu.memory_space<hbm>>
      %dma_wait3A_28 = arith.constant 0 : i32
      %dma_wait3A_29 = arith.constant 0 : i32
      %dma_wait3A_30 = tpu.memref_slice %arg4[%add3A, %dma_wait3A_28, %dma_wait3A_29] : memref<32x102x128xi32, #tpu.memory_space<hbm>> -> memref<1x102x128xi32, #tpu.memory_space<hbm>>
      %dma_wait3A_31 = tpu.memref_squeeze %dma_wait3A_30 : memref<1x102x128xi32, #tpu.memory_space<hbm>> -> memref<102x128xi32, #tpu.memory_space<hbm>>
      tpu.wait_dma2 semaphore(%run_scoped3A : memref<!tpu.dma_semaphore, #tpu.memory_space<semaphore_mem>>) src(%dma_wait3A_31 : memref<102x128xi32, #tpu.memory_space<hbm>>) dst(%arg8 : memref<102x128xi32, #tpu.memory_space<vmem>>)
      tpu.yield
    }) : () -> ()
    %barrier3A = arith.constant 0 : index
    tpu.barrier barrier_id(%barrier3A)
    %while3A = arith.constant 0 : i32
    %while3A_5 = arith.constant 0 : i32
    %while3A_6 = arith.subi %select_n3A, %while3A_5 : i32
    %while3A_7 = arith.addi %while3A_5, %while3A_6 : i32
    %while3A_8 = arith.constant 1 : i32
    %while3A_9 = arith.divsi %while3A_6, %while3A_8 : i32
    %while3A_10 = arith.muli %while3A_9, %while3A_8 : i32
    %while3A_11 = arith.addi %while3A_5, %while3A_10 : i32
    %while3A_12 = arith.constant 1 : i32
    scf.for %while3A_18 = %while3A_5 to %while3A_11 step %while3A_12  : i32 {
      %dma_start3A = arith.constant 0 : i32
      %dma_start3A_19 = tpu.memref_slice %arg7[%while3A_18, %dma_start3A] : memref<102x128xi32, #tpu.memory_space<vmem>> -> memref<1x128xi32, #tpu.memory_space<vmem>>
      %dma_start3A_20 = tpu.memref_squeeze %dma_start3A_19 : memref<1x128xi32, #tpu.memory_space<vmem>> -> memref<128xi32, #tpu.memory_space<vmem>>
      %dma_start3A_21 = arith.constant 0 : i32
      %dma_start3A_22 = arith.constant 0 : i32
      %dma_start3A_23 = tpu.memref_slice %arg2[%dma_start3A_21, %dma_start3A_22] : memref<10000x128xf32, #tpu.memory_space<hbm>> -> memref<10000x128xf32, #tpu.memory_space<hbm>>
      tpu.enqueue_indirect_dma source(%dma_start3A_23 : memref<10000x128xf32, #tpu.memory_space<hbm>>) target(%arg9 : memref<128x128xf32, #tpu.memory_space<vmem>>) offsets(%dma_start3A_20 : memref<128xi32, #tpu.memory_space<vmem>>) semaphore(%arg11 : memref<!tpu.dma_semaphore, #tpu.memory_space<semaphore_mem>>)
      %dma_wait3A = arith.constant 0 : i32
      %dma_wait3A_24 = tpu.memref_slice %arg7[%while3A_18, %dma_wait3A] : memref<102x128xi32, #tpu.memory_space<vmem>> -> memref<1x128xi32, #tpu.memory_space<vmem>>
      %dma_wait3A_25 = tpu.memref_squeeze %dma_wait3A_24 : memref<1x128xi32, #tpu.memory_space<vmem>> -> memref<128xi32, #tpu.memory_space<vmem>>
      %dma_wait3A_26 = arith.constant 0 : i32
      %dma_wait3A_27 = arith.constant 0 : i32
      %dma_wait3A_28 = tpu.memref_slice %arg2[%dma_wait3A_26, %dma_wait3A_27] : memref<10000x128xf32, #tpu.memory_space<hbm>> -> memref<10000x128xf32, #tpu.memory_space<hbm>>
      tpu.wait_indirect_dma semaphore(%arg11 : memref<!tpu.dma_semaphore, #tpu.memory_space<semaphore_mem>>) src(%dma_wait3A_28 : memref<10000x128xf32, #tpu.memory_space<hbm>>) dst(%arg9 : memref<128x128xf32, #tpu.memory_space<vmem>>)
      "tpu.region"() ({
        %run_scoped3A = tpu.sem_alloc : memref<!tpu.dma_semaphore, #tpu.memory_space<semaphore_mem>>
        %dma_start3A_29 = arith.constant 0 : i32
        %dma_start3A_30 = tpu.memref_slice %arg8[%while3A_18, %dma_start3A_29] : memref<102x128xi32, #tpu.memory_space<vmem>> -> memref<1x128xi32, #tpu.memory_space<vmem>>
        %dma_start3A_31 = tpu.memref_squeeze %dma_start3A_30 : memref<1x128xi32, #tpu.memory_space<vmem>> -> memref<128xi32, #tpu.memory_space<vmem>>
        %dma_start3A_32 = arith.constant 0 : i32
        %dma_start3A_33 = arith.constant 0 : i32
        %dma_start3A_34 = tpu.memref_slice %arg10[%dma_start3A_32, %dma_start3A_33] : memref<10240x128xf32, #tpu.memory_space<vmem_shared>> -> memref<10240x128xf32, #tpu.memory_space<vmem_shared>>
        tpu.enqueue_indirect_dma source(%arg9 : memref<128x128xf32, #tpu.memory_space<vmem>>) target(%dma_start3A_34 : memref<10240x128xf32, #tpu.memory_space<vmem_shared>>) offsets(%dma_start3A_31 : memref<128xi32, #tpu.memory_space<vmem>>) semaphore(%run_scoped3A : memref<!tpu.dma_semaphore, #tpu.memory_space<semaphore_mem>>) {add = true}
        %dma_wait3A_35 = arith.constant 0 : i32
        %dma_wait3A_36 = tpu.memref_slice %arg8[%while3A_18, %dma_wait3A_35] : memref<102x128xi32, #tpu.memory_space<vmem>> -> memref<1x128xi32, #tpu.memory_space<vmem>>
        %dma_wait3A_37 = tpu.memref_squeeze %dma_wait3A_36 : memref<1x128xi32, #tpu.memory_space<vmem>> -> memref<128xi32, #tpu.memory_space<vmem>>
        %dma_wait3A_38 = arith.constant 0 : i32
        %dma_wait3A_39 = arith.constant 0 : i32
        %dma_wait3A_40 = tpu.memref_slice %arg10[%dma_wait3A_38, %dma_wait3A_39] : memref<10240x128xf32, #tpu.memory_space<vmem_shared>> -> memref<10240x128xf32, #tpu.memory_space<vmem_shared>>
        tpu.wait_indirect_dma semaphore(%run_scoped3A : memref<!tpu.dma_semaphore, #tpu.memory_space<semaphore_mem>>) src(%arg9 : memref<128x128xf32, #tpu.memory_space<vmem>>) dst(%dma_wait3A_40 : memref<10240x128xf32, #tpu.memory_space<vmem_shared>>)
        tpu.yield
      }) : () -> ()
    }
    %while3A_13 = arith.constant 1 : i32
    scf.for %while3A_18 = %while3A_11 to %while3A_7 step %while3A_13  : i32 {
      %dma_start3A = arith.constant 0 : i32
      %dma_start3A_19 = tpu.memref_slice %arg7[%while3A_18, %dma_start3A] : memref<102x128xi32, #tpu.memory_space<vmem>> -> memref<1x128xi32, #tpu.memory_space<vmem>>
      %dma_start3A_20 = tpu.memref_squeeze %dma_start3A_19 : memref<1x128xi32, #tpu.memory_space<vmem>> -> memref<128xi32, #tpu.memory_space<vmem>>
      %dma_start3A_21 = arith.constant 0 : i32
      %dma_start3A_22 = arith.constant 0 : i32
      %dma_start3A_23 = tpu.memref_slice %arg2[%dma_start3A_21, %dma_start3A_22] : memref<10000x128xf32, #tpu.memory_space<hbm>> -> memref<10000x128xf32, #tpu.memory_space<hbm>>
      tpu.enqueue_indirect_dma source(%dma_start3A_23 : memref<10000x128xf32, #tpu.memory_space<hbm>>) target(%arg9 : memref<128x128xf32, #tpu.memory_space<vmem>>) offsets(%dma_start3A_20 : memref<128xi32, #tpu.memory_space<vmem>>) semaphore(%arg11 : memref<!tpu.dma_semaphore, #tpu.memory_space<semaphore_mem>>)
      %dma_wait3A = arith.constant 0 : i32
      %dma_wait3A_24 = tpu.memref_slice %arg7[%while3A_18, %dma_wait3A] : memref<102x128xi32, #tpu.memory_space<vmem>> -> memref<1x128xi32, #tpu.memory_space<vmem>>
      %dma_wait3A_25 = tpu.memref_squeeze %dma_wait3A_24 : memref<1x128xi32, #tpu.memory_space<vmem>> -> memref<128xi32, #tpu.memory_space<vmem>>
      %dma_wait3A_26 = arith.constant 0 : i32
      %dma_wait3A_27 = arith.constant 0 : i32
      %dma_wait3A_28 = tpu.memref_slice %arg2[%dma_wait3A_26, %dma_wait3A_27] : memref<10000x128xf32, #tpu.memory_space<hbm>> -> memref<10000x128xf32, #tpu.memory_space<hbm>>
      tpu.wait_indirect_dma semaphore(%arg11 : memref<!tpu.dma_semaphore, #tpu.memory_space<semaphore_mem>>) src(%dma_wait3A_28 : memref<10000x128xf32, #tpu.memory_space<hbm>>) dst(%arg9 : memref<128x128xf32, #tpu.memory_space<vmem>>)
      "tpu.region"() ({
        %run_scoped3A = tpu.sem_alloc : memref<!tpu.dma_semaphore, #tpu.memory_space<semaphore_mem>>
        %dma_start3A_29 = arith.constant 0 : i32
        %dma_start3A_30 = tpu.memref_slice %arg8[%while3A_18, %dma_start3A_29] : memref<102x128xi32, #tpu.memory_space<vmem>> -> memref<1x128xi32, #tpu.memory_space<vmem>>
        %dma_start3A_31 = tpu.memref_squeeze %dma_start3A_30 : memref<1x128xi32, #tpu.memory_space<vmem>> -> memref<128xi32, #tpu.memory_space<vmem>>
        %dma_start3A_32 = arith.constant 0 : i32
        %dma_start3A_33 = arith.constant 0 : i32
        %dma_start3A_34 = tpu.memref_slice %arg10[%dma_start3A_32, %dma_start3A_33] : memref<10240x128xf32, #tpu.memory_space<vmem_shared>> -> memref<10240x128xf32, #tpu.memory_space<vmem_shared>>
        tpu.enqueue_indirect_dma source(%arg9 : memref<128x128xf32, #tpu.memory_space<vmem>>) target(%dma_start3A_34 : memref<10240x128xf32, #tpu.memory_space<vmem_shared>>) offsets(%dma_start3A_31 : memref<128xi32, #tpu.memory_space<vmem>>) semaphore(%run_scoped3A : memref<!tpu.dma_semaphore, #tpu.memory_space<semaphore_mem>>) {add = true}
        %dma_wait3A_35 = arith.constant 0 : i32
        %dma_wait3A_36 = tpu.memref_slice %arg8[%while3A_18, %dma_wait3A_35] : memref<102x128xi32, #tpu.memory_space<vmem>> -> memref<1x128xi32, #tpu.memory_space<vmem>>
        %dma_wait3A_37 = tpu.memref_squeeze %dma_wait3A_36 : memref<1x128xi32, #tpu.memory_space<vmem>> -> memref<128xi32, #tpu.memory_space<vmem>>
        %dma_wait3A_38 = arith.constant 0 : i32
        %dma_wait3A_39 = arith.constant 0 : i32
        %dma_wait3A_40 = tpu.memref_slice %arg10[%dma_wait3A_38, %dma_wait3A_39] : memref<10240x128xf32, #tpu.memory_space<vmem_shared>> -> memref<10240x128xf32, #tpu.memory_space<vmem_shared>>
        tpu.wait_indirect_dma semaphore(%run_scoped3A : memref<!tpu.dma_semaphore, #tpu.memory_space<semaphore_mem>>) src(%arg9 : memref<128x128xf32, #tpu.memory_space<vmem>>) dst(%dma_wait3A_40 : memref<10240x128xf32, #tpu.memory_space<vmem_shared>>)
        tpu.yield
      }) : () -> ()
    }
    %barrier3A_14 = arith.constant 0 : index
    tpu.barrier barrier_id(%barrier3A_14)
    %mul3A_15 = arith.constant 10240 : i32
    %mul3A_16 = arith.muli %arg0, %mul3A_15 : i32
    %add3A_17 = arith.addi %mul3A_16, %mul3A_2 : i32
    "tpu.region"() ({
      %run_scoped3A = tpu.sem_alloc : memref<!tpu.dma_semaphore, #tpu.memory_space<semaphore_mem>>
      %dma_start3A = arith.constant 0 : i32
      %dma_start3A_18 = tpu.memref_slice %arg6[%add3A_17, %dma_start3A] : memref<20480x128xf32, #tpu.memory_space<hbm>> -> memref<640x128xf32, #tpu.memory_space<hbm>>
      %dma_start3A_19 = arith.constant 0 : i32
      %dma_start3A_20 = tpu.memref_slice %arg10[%mul3A_2, %dma_start3A_19] : memref<10240x128xf32, #tpu.memory_space<vmem_shared>> -> memref<640x128xf32, #tpu.memory_space<vmem_shared>>
      tpu.enqueue_dma source(%dma_start3A_20 : memref<640x128xf32, #tpu.memory_space<vmem_shared>>) target(%dma_start3A_18 : memref<640x128xf32, #tpu.memory_space<hbm>>) target_semaphore(%run_scoped3A : memref<!tpu.dma_semaphore, #tpu.memory_space<semaphore_mem>>)
      %dma_wait3A = arith.constant 0 : i32
      %dma_wait3A_21 = tpu.memref_slice %arg6[%add3A_17, %dma_wait3A] : memref<20480x128xf32, #tpu.memory_space<hbm>> -> memref<640x128xf32, #tpu.memory_space<hbm>>
      %dma_wait3A_22 = arith.constant 0 : i32
      %dma_wait3A_23 = tpu.memref_slice %arg10[%mul3A_2, %dma_wait3A_22] : memref<10240x128xf32, #tpu.memory_space<vmem_shared>> -> memref<640x128xf32, #tpu.memory_space<vmem_shared>>
      tpu.wait_dma2 semaphore(%run_scoped3A : memref<!tpu.dma_semaphore, #tpu.memory_space<semaphore_mem>>) src(%dma_wait3A_23 : memref<640x128xf32, #tpu.memory_space<vmem_shared>>) dst(%dma_wait3A_21 : memref<640x128xf32, #tpu.memory_space<hbm>>)
      tpu.yield
    }) : () -> ()
    return
  }
}

module attributes {stable_mosaic.version = 14 : i64} {
  func.func @_dense_body(%arg0: i32, %arg1: memref<1000x128xf32, #tpu.memory_space<vmem>>, %arg2: memref<1000x128xf32, #tpu.memory_space<vmem>>, %arg3: memref<1000x32xf32, #tpu.memory_space<vmem>>, %arg4: memref<1000x128xf32, #tpu.memory_space<vmem>>, %arg5: memref<128x128xf32, #tpu.memory_space<vmem>>, %arg6: memref<128x128xf32, #tpu.memory_space<vmem>>, %arg7: memref<1x128xf32, #tpu.memory_space<vmem>>, %arg8: memref<1000x128xf32, #tpu.memory_space<vmem>>) attributes {dimension_semantics = [#tpu.dimension_semantics<arbitrary>], iteration_bounds = array<i64: 10>, scalar_prefetch = 0 : i64, scratch_operands = 0 : i64, tpu.core_type = #tpu.core_type<tc>, window_params = [{transform_indices = @transform_0, window_bounds = array<i64: 1000, 128>}, {transform_indices = @transform_1, window_bounds = array<i64: 1000, 128>}, {transform_indices = @transform_2, window_bounds = array<i64: 1000, 32>}, {transform_indices = @transform_3, window_bounds = array<i64: 1000, 128>}, {pipeline_mode = #tpu.pipeline_mode<synchronous>, transform_indices = @transform_4, window_bounds = array<i64: 128, 128>}, {pipeline_mode = #tpu.pipeline_mode<synchronous>, transform_indices = @transform_5, window_bounds = array<i64: 128, 128>}, {pipeline_mode = #tpu.pipeline_mode<synchronous>, transform_indices = @transform_6, window_bounds = array<i64: 1, 128>}, {transform_indices = @transform_7, window_bounds = array<i64: 1000, 128>}]} {
    %get3A = arith.constant 0 : index
    %get3A_0 = arith.constant 0 : index
    %get3A_1 = vector.load %arg3[%get3A, %get3A_0] : memref<1000x32xf32, #tpu.memory_space<vmem>>, vector<1000x32xf32>
    %reduce_sum3A = arith.constant dense<0.000000e+00> : vector<1000xf32>
    %reduce_sum3A_2 = vector.multi_reduction <add>, %get3A_1, %reduce_sum3A [1] : vector<1000x32xf32> to vector<1000xf32>
    %broadcast_in_dim3A = vector.shape_cast %reduce_sum3A_2 : vector<1000xf32> to vector<1000x1xf32>
    %max3A = arith.constant 1.000000e+00 : f32
    %max3A_3 = vector.broadcast %max3A : f32 to vector<1000x1xf32>
    %max3A_4 = arith.maximumf %broadcast_in_dim3A, %max3A_3 : vector<1000x1xf32>
    %get3A_5 = arith.constant 0 : index
    %get3A_6 = arith.constant 0 : index
    %get3A_7 = vector.load %arg1[%get3A_5, %get3A_6] : memref<1000x128xf32, #tpu.memory_space<vmem>>, vector<1000x128xf32>
    %get3A_8 = arith.constant 0 : index
    %get3A_9 = arith.constant 0 : index
    %get3A_10 = vector.load %arg2[%get3A_8, %get3A_9] : memref<1000x128xf32, #tpu.memory_space<vmem>>, vector<1000x128xf32>
    %add3A = arith.addf %get3A_7, %get3A_10 : vector<1000x128xf32>
    %div3A = vector.broadcast %max3A_4 : vector<1000x1xf32> to vector<1000x128xf32>
    %div3A_11 = arith.divf %add3A, %div3A : vector<1000x128xf32>
    %get3A_12 = arith.constant 0 : index
    %get3A_13 = arith.constant 0 : index
    %get3A_14 = vector.load %arg5[%get3A_12, %get3A_13] : memref<128x128xf32, #tpu.memory_space<vmem>>, vector<128x128xf32>
    %dot_general3A = arith.constant dense<0.000000e+00> : vector<1000x128xf32>
    %dot_general3A_15 = tpu.matmul %div3A_11, %get3A_14, %dot_general3A {dimension_numbers = #tpu.dot_dimension_numbers<[1], [0], [0], [1], [0, 0, 1, 1], [], []>, transpose_lhs_hint = false} : vector<1000x128xf32>, vector<128x128xf32>, vector<1000x128xf32> -> vector<1000x128xf32>
    %get3A_16 = arith.constant 0 : index
    %get3A_17 = arith.constant 0 : index
    %get3A_18 = vector.load %arg4[%get3A_16, %get3A_17] : memref<1000x128xf32, #tpu.memory_space<vmem>>, vector<1000x128xf32>
    %get3A_19 = arith.constant 0 : index
    %get3A_20 = arith.constant 0 : index
    %get3A_21 = vector.load %arg6[%get3A_19, %get3A_20] : memref<128x128xf32, #tpu.memory_space<vmem>>, vector<128x128xf32>
    %dot_general3A_22 = arith.constant dense<0.000000e+00> : vector<1000x128xf32>
    %dot_general3A_23 = tpu.matmul %get3A_18, %get3A_21, %dot_general3A_22 {dimension_numbers = #tpu.dot_dimension_numbers<[1], [0], [0], [1], [0, 0, 1, 1], [], []>, transpose_lhs_hint = false} : vector<1000x128xf32>, vector<128x128xf32>, vector<1000x128xf32> -> vector<1000x128xf32>
    %add3A_24 = arith.addf %dot_general3A_15, %dot_general3A_23 : vector<1000x128xf32>
    %get3A_25 = arith.constant 0 : index
    %get3A_26 = arith.constant 0 : index
    %get3A_27 = vector.load %arg7[%get3A_25, %get3A_26] : memref<1x128xf32, #tpu.memory_space<vmem>>, vector<1x128xf32>
    %add3A_28 = vector.broadcast %get3A_27 : vector<1x128xf32> to vector<1000x128xf32>
    %add3A_29 = arith.addf %add3A_24, %add3A_28 : vector<1000x128xf32>
    %max3A_30 = arith.constant 0.000000e+00 : f32
    %max3A_31 = vector.broadcast %max3A_30 : f32 to vector<1000x128xf32>
    %max3A_32 = arith.maximumf %add3A_29, %max3A_31 : vector<1000x128xf32>
    %swap3A = arith.constant 0 : index
    %swap3A_33 = arith.constant 0 : index
    %swap3A_34 = vector.load %arg8[%swap3A, %swap3A_33] : memref<1000x128xf32, #tpu.memory_space<vmem>>, vector<1000x128xf32>
    tpu.vector_store %arg8[%swap3A, %swap3A_33], %max3A_32 {strides = array<i32>} : memref<1000x128xf32, #tpu.memory_space<vmem>>, vector<1000x128xf32>,
    return
  }
  func.func @transform_0(%arg0: i32) -> (i32, i32) {
    %c0_i32 = arith.constant 0 : i32
    %c0_i32_0 = arith.constant 0 : i32
    return %arg0, %c0_i32 : i32, i32
  }
  func.func @transform_1(%arg0: i32) -> (i32, i32) {
    %c0_i32 = arith.constant 0 : i32
    %c0_i32_0 = arith.constant 0 : i32
    return %arg0, %c0_i32 : i32, i32
  }
  func.func @transform_2(%arg0: i32) -> (i32, i32) {
    %c0_i32 = arith.constant 0 : i32
    %c0_i32_0 = arith.constant 0 : i32
    return %arg0, %c0_i32 : i32, i32
  }
  func.func @transform_3(%arg0: i32) -> (i32, i32) {
    %c0_i32 = arith.constant 0 : i32
    %c0_i32_0 = arith.constant 0 : i32
    return %arg0, %c0_i32 : i32, i32
  }
  func.func @transform_4(%arg0: i32) -> (i32, i32) {
    %c0_i32 = arith.constant 0 : i32
    %c0_i32_0 = arith.constant 0 : i32
    %c0_i32_1 = arith.constant 0 : i32
    return %c0_i32, %c0_i32_0 : i32, i32
  }
  func.func @transform_5(%arg0: i32) -> (i32, i32) {
    %c0_i32 = arith.constant 0 : i32
    %c0_i32_0 = arith.constant 0 : i32
    %c0_i32_1 = arith.constant 0 : i32
    return %c0_i32, %c0_i32_0 : i32, i32
  }
  func.func @transform_6(%arg0: i32) -> (i32, i32) {
    %c0_i32 = arith.constant 0 : i32
    %c0_i32_0 = arith.constant 0 : i32
    %c0_i32_1 = arith.constant 0 : i32
    return %c0_i32, %c0_i32_0 : i32, i32
  }
  func.func @transform_7(%arg0: i32) -> (i32, i32) {
    %c0_i32 = arith.constant 0 : i32
    %c0_i32_0 = arith.constant 0 : i32
    return %arg0, %c0_i32 : i32, i32
  }
}

module attributes {stable_mosaic.version = 14 : i64} {
  func.func @_pool_body(%arg0: memref<10000x128xf32, #tpu.memory_space<vmem>>, %arg1: memref<10000x128xf32, #tpu.memory_space<vmem>>, %arg2: memref<10000x32xf32, #tpu.memory_space<vmem>>, %arg3: memref<10000x128xf32, #tpu.memory_space<vmem>>, %arg4: memref<128x128xf32, #tpu.memory_space<vmem>>, %arg5: memref<128x128xf32, #tpu.memory_space<vmem>>, %arg6: memref<1x128xf32, #tpu.memory_space<vmem>>, %arg7: memref<128x1xf32, #tpu.memory_space<vmem>>, %arg8: memref<1x1xf32, #tpu.memory_space<vmem>>, %arg9: memref<128x3xf32, #tpu.memory_space<vmem>>, %arg10: memref<1x3xf32, #tpu.memory_space<vmem>>, %arg11: memref<10000x1xi32, #tpu.memory_space<vmem>>, %arg12: memref<16x3xf32, #tpu.memory_space<vmem>>) attributes {dimension_semantics = [], scalar_prefetch = 0 : i64, scratch_operands = 0 : i64, tpu.core_type = #tpu.core_type<tc>} {
    %get3A = arith.constant 0 : index
    %get3A_0 = arith.constant 0 : index
    %get3A_1 = vector.load %arg2[%get3A, %get3A_0] : memref<10000x32xf32, #tpu.memory_space<vmem>>, vector<10000x32xf32>
    %reduce_sum3A = arith.constant dense<0.000000e+00> : vector<10000xf32>
    %reduce_sum3A_2 = vector.multi_reduction <add>, %get3A_1, %reduce_sum3A [1] : vector<10000x32xf32> to vector<10000xf32>
    %broadcast_in_dim3A = vector.shape_cast %reduce_sum3A_2 : vector<10000xf32> to vector<10000x1xf32>
    %max3A = arith.constant 1.000000e+00 : f32
    %max3A_3 = vector.broadcast %max3A : f32 to vector<10000x1xf32>
    %max3A_4 = arith.maximumf %broadcast_in_dim3A, %max3A_3 : vector<10000x1xf32>
    %get3A_5 = arith.constant 0 : index
    %get3A_6 = arith.constant 0 : index
    %get3A_7 = vector.load %arg0[%get3A_5, %get3A_6] : memref<10000x128xf32, #tpu.memory_space<vmem>>, vector<10000x128xf32>
    %get3A_8 = arith.constant 0 : index
    %get3A_9 = arith.constant 0 : index
    %get3A_10 = vector.load %arg1[%get3A_8, %get3A_9] : memref<10000x128xf32, #tpu.memory_space<vmem>>, vector<10000x128xf32>
    %add3A = arith.addf %get3A_7, %get3A_10 : vector<10000x128xf32>
    %div3A = vector.broadcast %max3A_4 : vector<10000x1xf32> to vector<10000x128xf32>
    %div3A_11 = arith.divf %add3A, %div3A : vector<10000x128xf32>
    %get3A_12 = arith.constant 0 : index
    %get3A_13 = arith.constant 0 : index
    %get3A_14 = vector.load %arg4[%get3A_12, %get3A_13] : memref<128x128xf32, #tpu.memory_space<vmem>>, vector<128x128xf32>
    %dot_general3A = arith.constant dense<0.000000e+00> : vector<10000x128xf32>
    %dot_general3A_15 = tpu.matmul %div3A_11, %get3A_14, %dot_general3A {dimension_numbers = #tpu.dot_dimension_numbers<[1], [0], [0], [1], [0, 0, 1, 1], [], []>, transpose_lhs_hint = false} : vector<10000x128xf32>, vector<128x128xf32>, vector<10000x128xf32> -> vector<10000x128xf32>
    %get3A_16 = arith.constant 0 : index
    %get3A_17 = arith.constant 0 : index
    %get3A_18 = vector.load %arg3[%get3A_16, %get3A_17] : memref<10000x128xf32, #tpu.memory_space<vmem>>, vector<10000x128xf32>
    %get3A_19 = arith.constant 0 : index
    %get3A_20 = arith.constant 0 : index
    %get3A_21 = vector.load %arg5[%get3A_19, %get3A_20] : memref<128x128xf32, #tpu.memory_space<vmem>>, vector<128x128xf32>
    %dot_general3A_22 = arith.constant dense<0.000000e+00> : vector<10000x128xf32>
    %dot_general3A_23 = tpu.matmul %get3A_18, %get3A_21, %dot_general3A_22 {dimension_numbers = #tpu.dot_dimension_numbers<[1], [0], [0], [1], [0, 0, 1, 1], [], []>, transpose_lhs_hint = false} : vector<10000x128xf32>, vector<128x128xf32>, vector<10000x128xf32> -> vector<10000x128xf32>
    %add3A_24 = arith.addf %dot_general3A_15, %dot_general3A_23 : vector<10000x128xf32>
    %get3A_25 = arith.constant 0 : index
    %get3A_26 = arith.constant 0 : index
    %get3A_27 = vector.load %arg6[%get3A_25, %get3A_26] : memref<1x128xf32, #tpu.memory_space<vmem>>, vector<1x128xf32>
    %add3A_28 = vector.broadcast %get3A_27 : vector<1x128xf32> to vector<10000x128xf32>
    %add3A_29 = arith.addf %add3A_24, %add3A_28 : vector<10000x128xf32>
    %get3A_30 = arith.constant 0 : index
    %get3A_31 = arith.constant 0 : index
    %get3A_32 = vector.load %arg7[%get3A_30, %get3A_31] : memref<128x1xf32, #tpu.memory_space<vmem>>, vector<128x1xf32>
    %dot_general3A_33 = arith.constant dense<0.000000e+00> : vector<10000x1xf32>
    %dot_general3A_34 = tpu.matmul %add3A_29, %get3A_32, %dot_general3A_33 {dimension_numbers = #tpu.dot_dimension_numbers<[1], [0], [0], [1], [0, 0, 1, 1], [], []>, transpose_lhs_hint = false} : vector<10000x128xf32>, vector<128x1xf32>, vector<10000x1xf32> -> vector<10000x1xf32>
    %get3A_35 = arith.constant 0 : index
    %get3A_36 = arith.constant 0 : index
    %get3A_37 = vector.load %arg8[%get3A_35, %get3A_36] : memref<1x1xf32, #tpu.memory_space<vmem>>, vector<1x1xf32>
    %add3A_38 = vector.broadcast %get3A_37 : vector<1x1xf32> to vector<10000x1xf32>
    %add3A_39 = arith.addf %dot_general3A_34, %add3A_38 : vector<10000x1xf32>
    %iota3A = tpu.iota {dimensions = array<i32: 1>} : vector<10000x16xi32>
    %get3A_40 = arith.constant 0 : index
    %get3A_41 = arith.constant 0 : index
    %get3A_42 = vector.load %arg11[%get3A_40, %get3A_41] : memref<10000x1xi32, #tpu.memory_space<vmem>>, vector<10000x1xi32>
    %eq3A = vector.broadcast %get3A_42 : vector<10000x1xi32> to vector<10000x16xi32>
    %eq3A_43 = arith.cmpi eq, %eq3A, %iota3A : vector<10000x16xi32>
    %convert_element_type3A = arith.extui %eq3A_43 : vector<10000x16xi1> to vector<10000x16xi32>
    %convert_element_type3A_44 = arith.sitofp %convert_element_type3A : vector<10000x16xi32> to vector<10000x16xf32>
    %jit3A = arith.constant -1.000000e+30 : f32
    %broadcast_in_dim3A_45 = vector.shape_cast %add3A_39 : vector<10000x1xf32> to vector<10000x1xf32>
    %broadcast_in_dim3A_46 = vector.broadcast %broadcast_in_dim3A_45 : vector<10000x1xf32> to vector<10000x16xf32>
    %broadcast_in_dim3A_47 = vector.broadcast %jit3A : f32 to vector<10000x16xf32>
    %select_n3A = arith.select %eq3A_43, %broadcast_in_dim3A_46, %broadcast_in_dim3A_47 : vector<10000x16xi1>, vector<10000x16xf32>
    %reduce_max3A = arith.constant dense<0xFF800000> : vector<16xf32>
    %reduce_max3A_48 = vector.multi_reduction <maximumf>, %select_n3A, %reduce_max3A [0] : vector<10000x16xf32> to vector<16xf32>
    %broadcast_in_dim3A_49 = vector.shape_cast %reduce_max3A_48 : vector<16xf32> to vector<1x16xf32>
    %jit3A_50 = arith.constant 0.000000e+00 : f32
    %broadcast_in_dim3A_51 = vector.shape_cast %broadcast_in_dim3A_49 : vector<1x16xf32> to vector<1x16xf32>
    %broadcast_in_dim3A_52 = vector.broadcast %broadcast_in_dim3A_51 : vector<1x16xf32> to vector<10000x16xf32>
    %broadcast_in_dim3A_53 = vector.broadcast %jit3A_50 : f32 to vector<10000x16xf32>
    %select_n3A_54 = arith.select %eq3A_43, %broadcast_in_dim3A_52, %broadcast_in_dim3A_53 : vector<10000x16xi1>, vector<10000x16xf32>
    %reduce_sum3A_55 = arith.constant dense<0.000000e+00> : vector<10000xf32>
    %reduce_sum3A_56 = vector.multi_reduction <add>, %select_n3A_54, %reduce_sum3A_55 [1] : vector<10000x16xf32> to vector<10000xf32>
    %broadcast_in_dim3A_57 = vector.shape_cast %reduce_sum3A_56 : vector<10000xf32> to vector<10000x1xf32>
    %sub3A = arith.subf %add3A_39, %broadcast_in_dim3A_57 : vector<10000x1xf32>
    %exp3A = math.exp %sub3A : vector<10000x1xf32>
    %mul3A = vector.broadcast %exp3A : vector<10000x1xf32> to vector<10000x16xf32>
    %mul3A_58 = arith.mulf %mul3A, %convert_element_type3A_44 : vector<10000x16xf32>
    %reduce_sum3A_59 = arith.constant dense<0.000000e+00> : vector<16xf32>
    %reduce_sum3A_60 = vector.multi_reduction <add>, %mul3A_58, %reduce_sum3A_59 [0] : vector<10000x16xf32> to vector<16xf32>
    %broadcast_in_dim3A_61 = vector.shape_cast %reduce_sum3A_60 : vector<16xf32> to vector<1x16xf32>
    %jit3A_62 = arith.constant 0.000000e+00 : f32
    %broadcast_in_dim3A_63 = vector.shape_cast %broadcast_in_dim3A_61 : vector<1x16xf32> to vector<1x16xf32>
    %broadcast_in_dim3A_64 = vector.broadcast %broadcast_in_dim3A_63 : vector<1x16xf32> to vector<10000x16xf32>
    %broadcast_in_dim3A_65 = vector.broadcast %jit3A_62 : f32 to vector<10000x16xf32>
    %select_n3A_66 = arith.select %eq3A_43, %broadcast_in_dim3A_64, %broadcast_in_dim3A_65 : vector<10000x16xi1>, vector<10000x16xf32>
    %reduce_sum3A_67 = arith.constant dense<0.000000e+00> : vector<10000xf32>
    %reduce_sum3A_68 = vector.multi_reduction <add>, %select_n3A_66, %reduce_sum3A_67 [1] : vector<10000x16xf32> to vector<10000xf32>
    %broadcast_in_dim3A_69 = vector.shape_cast %reduce_sum3A_68 : vector<10000xf32> to vector<10000x1xf32>
    %div3A_70 = arith.divf %exp3A, %broadcast_in_dim3A_69 : vector<10000x1xf32>
    %mul3A_71 = vector.broadcast %div3A_70 : vector<10000x1xf32> to vector<10000x16xf32>
    %mul3A_72 = arith.mulf %convert_element_type3A_44, %mul3A_71 : vector<10000x16xf32>
    %dot_general3A_73 = arith.constant dense<0.000000e+00> : vector<16x128xf32>
    %dot_general3A_74 = tpu.matmul %mul3A_72, %add3A_29, %dot_general3A_73 {dimension_numbers = #tpu.dot_dimension_numbers<[0], [0], [1], [1], [0, 1, 1, 1], [], []>, transpose_lhs_hint = false} : vector<10000x16xf32>, vector<10000x128xf32>, vector<16x128xf32> -> vector<16x128xf32>
    %get3A_75 = arith.constant 0 : index
    %get3A_76 = arith.constant 0 : index
    %get3A_77 = vector.load %arg9[%get3A_75, %get3A_76] : memref<128x3xf32, #tpu.memory_space<vmem>>, vector<128x3xf32>
    %dot_general3A_78 = arith.constant dense<0.000000e+00> : vector<16x3xf32>
    %dot_general3A_79 = tpu.matmul %dot_general3A_74, %get3A_77, %dot_general3A_78 {dimension_numbers = #tpu.dot_dimension_numbers<[1], [0], [0], [1], [0, 0, 1, 1], [], []>, transpose_lhs_hint = false} : vector<16x128xf32>, vector<128x3xf32>, vector<16x3xf32> -> vector<16x3xf32>
    %get3A_80 = arith.constant 0 : index
    %get3A_81 = arith.constant 0 : index
    %get3A_82 = vector.load %arg10[%get3A_80, %get3A_81] : memref<1x3xf32, #tpu.memory_space<vmem>>, vector<1x3xf32>
    %add3A_83 = vector.broadcast %get3A_82 : vector<1x3xf32> to vector<16x3xf32>
    %add3A_84 = arith.addf %dot_general3A_79, %add3A_83 : vector<16x3xf32>
    %tanh3A = math.tanh %add3A_84 : vector<16x3xf32>
    %swap3A = arith.constant 0 : index
    %swap3A_85 = arith.constant 0 : index
    %swap3A_86 = vector.load %arg12[%swap3A, %swap3A_85] : memref<16x3xf32, #tpu.memory_space<vmem>>, vector<16x3xf32>
    tpu.vector_store %arg12[%swap3A, %swap3A_85], %tanh3A {strides = array<i32>} : memref<16x3xf32, #tpu.memory_space<vmem>>, vector<16x3xf32>,
    return
  }
}

</mosaic_0001>

<sc_bundles>
// kernel: kernel.12.cloned.1.call-start
scs
__scs_entry_jumppad:
0x0: {  	(pc) =	sbr.rel $0x88, $3  }
0x1: {  	(tag) =	ssettag $0x0;
	lr =	simm.s32 $0x1  }
0x2: {  	[smem:$0x3F91] =	sst lr;
	_ =	strace $0xD0000000  }
0x3: {  	_ = 	snop  }
0x4: {  	_ = 	snop  }
0x5: {  	_ = 	snop  }
0x6: {  	_ = 	snop  }
0x7: {  	_ = 	snop  }
__scs_overlays_trampoline_lowered:
0x8: {  	[smem:$0x3FA0] =	sst s0  }
0x9: {  	[smem:$0x3FA1] =	sst s1  }
0xa: {  	[smem:$0x3FA2] =	sst s2  }
0xb: {  	[smem:$0x3FA3] =	sst s3  }
0xc: {  	[smem:$0x3FA4] =	sst s4  }
0xd: {  	[smem:$0x3FA5] =	sst s5  }
0xe: {  	[smem:$0x3FA6] =	sst s6  }
0xf: {  	[smem:$0x3FA7] =	sst s7  }
0x10: {  	[smem:$0x3FA8] =	sst s8  }
0x11: {  	[smem:$0x3FA9] =	sst s9;
	s0 =	simm.s32 @!p0 $0x0  }
0x12: {  	s1 =	sld [smem:$0x3F8F];
	s0 =	simm.s32 @p0 $0x1  }
0x13: {  	[smem:$0x3FAA] =	sst s0;
	s0 =	simm.s32 @!p1 $0x0  }
0x14: {  	s2 =	sld [smem:$0x3F8E];
	s0 =	simm.s32 @p1 $0x1  }
0x15: {  	[smem:$0x3FAB] =	sst s0;
	s0 =	simm.s32 @!p2 $0x0  }
0x16: {  	s3 =	sld [smem:$0x3FDB];
	s0 =	simm.s32 @p2 $0x1  }
0x17: {  	s4 =	simm.s32 $0x1BF5;
	[smem:$0x3FAD] =	sst s0  }
0x18: {  	s0 =	sld [smem:$0x3F90];
	_ =	swait.ge [sflag:s4], $0x0  }
0x19: {  	s7 =	sld [smem:$0x3F91]  }
0x1a: {  	s8 =	sadd.s32 $0xFFFFE003, lr  }
0x1b: {  	s9 =	sadd.s32 $0xFFFFFEF7, lr;
	s5 =	simm.s32 $0xFFFFFFFF;
	p2 =	slt.u32 s8, $0xFFFFF086  }
0x1c: {  	p1 =	slt.u32 s9, $0xF7A;
	s5 =	simm.s32 @!p2 $0x0  }
0x1d: {  	s5 =	simm.s32 @p1 $0x1;
	p0 =	seq.s32 s7, s2  }
0x1e: {  	s7 =	smul.u32 @!p0 $0xF7A, s2;
	p2 =	seq.s32 @!p0 s5, $0x0  }
0x1f: {  	s9 =	smul.u32 $0xF7A, s1;
	s8 =	simm.s32 @!p0 $0x1BF5;
	p2 =	por !p2, p0  }
0x20: {  	[sflag:s8] =	ssyncset.s32 @!p0 $0xFFFFF086;
	s6 =	sadd.s32 @!p0 s3, s7;
	s7 =	simm.s32 @!p0 $0x108  }
0x21: {  	s3 =	sadd.s32 s3, s9;
	s6 =	sadd.s32 @!p0 $0x88, s6;
	s7 =	simm.s32 @p2 $0x1082  }
0x22: {  	[simem:s7], [sflag:s8] =	dma.local @!p0 [hbm:s6], $0xF7A  }
0x23: {  	s9 =	sor.u32 $0xD0000000, s2;
	s6 =	simm.s32 $0x108;
	_ =	swait.ge @!p0 [sflag:s8], $0x0  }
0x24: {  	s3 =	sadd.s32 $0x88, s3;
	s6 =	simm.s32 @!p1 $0x1082;
	[sflag:s4] =	ssyncset.s32 $0xFFFFF086  }
0x25: {  	[simem:s6], [sflag:s4] =	dma.local [hbm:s3], $0xF7A  }
0x26: {  	[smem:$0x3F91] =	sst s1;
	(tag) =	ssettag s2;
	_ =	strace s9  }
0x27: {  	s1 =	sld [smem:$0x3FA1]  }
0x28: {  	s2 =	sld [smem:$0x3FA2]  }
0x29: {  	s4 =	sld [smem:$0x3FA4]  }
0x2a: {  	p0 =	seq.s32 s5, $0x0;
	s5 =	sld [smem:$0x3FA5]  }
0x2b: {  	s6 =	sld [smem:$0x3FA6]  }
0x2c: {  	s7 =	sld [smem:$0x3FA7]  }
0x2d: {  	s3 =	simm.s32 $0x108;
	s8 =	sld [smem:$0x3FA8]  }
0x2e: {  	s3 =	simm.s32 @!p0 $0x1082;
	s9 =	sld [smem:$0x3FA9]  }
0x2f: {  	lr =	sadd.s32 s0, s3;
	s0 =	sld [smem:$0x3FA0]  }
0x30: {  	s3 =	sld [smem:$0x3FA3]  }
0x31: {  	[smem:$0x3FAC] =	sst s10  }
0x32: {  	s10 =	sld [smem:$0x3FAA];
	_ =	sdelay $0x3  }
0x33: {  	p0 =	seq.s32 s10, $0x1;
	s10 =	sld [smem:$0x3FAC];
	_ =	sdelay $0x3  }
0x34: {  	[smem:$0x3FAC] =	sst s10  }
0x35: {  	s10 =	sld [smem:$0x3FAB];
	_ =	sdelay $0x3  }
0x36: {  	p1 =	seq.s32 s10, $0x1;
	s10 =	sld [smem:$0x3FAC];
	_ =	sdelay $0x3  }
0x37: {  	[smem:$0x3FAC] =	sst s10  }
0x38: {  	s10 =	sld [smem:$0x3FAD]  }
0x39: {  	_ = 	snop;
	(pc) =	sbr.ind lr, $3  }
0x3a: {  	_ = 	snop  }
0x3b: {  	_ = 	snop  }
0x3c: {  	p2 =	seq.s32 s10, $0x1;
	s10 =	sld [smem:$0x3FAC]  }
0x3d: {  	_ =	shalt  }
0x3e: {  	_ =	shalt  }
0x3f: {  	_ =	shalt  }
0x40: {  	_ =	shalt  }
0x41: {  	_ =	shalt  }
0x42: {  	_ =	shalt  }
0x43: {  	_ =	shalt  }
0x44: {  	_ =	shalt  }
0x45: {  	_ =	shalt  }
0x46: {  	_ =	shalt  }
0x47: {  	_ =	shalt  }
0x48: {  	_ =	shalt  }
0x49: {  	_ =	shalt  }
0x4a: {  	_ =	shalt  }
0x4b: {  	_ =	shalt  }
0x4c: {  	_ =	shalt  }
0x4d: {  	_ =	shalt  }
0x4e: {  	_ =	shalt  }
0x4f: {  	_ =	shalt  }
0x50: {  	_ =	shalt  }
0x51: {  	_ =	shalt  }
0x52: {  	_ =	shalt  }
0x53: {  	_ =	shalt  }
0x54: {  	_ =	shalt  }
0x55: {  	_ =	shalt  }
0x56: {  	_ =	shalt  }
0x57: {  	_ =	shalt  }
0x58: {  	_ =	shalt  }
0x59: {  	_ =	shalt  }
0x5a: {  	_ =	shalt  }
0x5b: {  	_ =	shalt  }
0x5c: {  	_ =	shalt  }
0x5d: {  	_ =	shalt  }
0x5e: {  	_ =	shalt  }
0x5f: {  	_ =	shalt  }
0x60: {  	_ =	shalt  }
0x61: {  	_ =	shalt  }
0x62: {  	_ =	shalt  }
0x63: {  	_ =	shalt  }
0x64: {  	_ =	shalt  }
0x65: {  	_ =	shalt  }
0x66: {  	_ =	shalt  }
0x67: {  	_ =	shalt  }
0x68: {  	_ =	shalt  }
0x69: {  	_ =	shalt  }
0x6a: {  	_ =	shalt  }
0x6b: {  	_ =	shalt  }
0x6c: {  	_ =	shalt  }
0x6d: {  	_ =	shalt  }
0x6e: {  	_ =	shalt  }
0x6f: {  	_ =	shalt  }
0x70: {  	_ =	shalt  }
0x71: {  	_ =	shalt  }
0x72: {  	_ =	shalt  }
0x73: {  	_ =	shalt  }
0x74: {  	_ =	shalt  }
0x75: {  	_ =	shalt  }
0x76: {  	_ =	shalt  }
0x77: {  	_ =	shalt  }
0x78: {  	_ =	shalt  }
0x79: {  	_ =	shalt  }
0x7a: {  	_ =	shalt  }
0x7b: {  	_ =	shalt  }
0x7c: {  	_ =	shalt  }
0x7d: {  	_ =	shalt  }
0x7e: {  	_ =	shalt  }
0x7f: {  	_ =	shalt  }
0x80: {  	_ =	shalt  }
0x81: {  	_ =	shalt  }
0x82: {  	_ =	shalt  }
0x83: {  	_ =	shalt  }
0x84: {  	_ =	shalt  }
0x85: {  	_ =	shalt  }
0x86: {  	_ =	shalt  }
0x87: {  	_ =	shalt  }
.Lfunc_end0:
.L_simem_size_0:
called_computation.1_lowered:
.L_overlay_start_0:
0x88: {  	s2 =	sld [smem:$0x3FD9]  }
0x89: {  	s3 =	sld [smem:$0x3FFE];
	_ =	sdelay $0x1  }
0x8a: {  	s1 =	srdreg.scid  }
0x8b: {  	s0 =	sand.u32 $0x1, s1  }
0x8c: {  	s17 =	sshll.u32 s0, $0xA;
	s2 =	sadd.s32 s3, s2  }
0x8d: {  	s2 =	sadd.s32 s2, s17  }
0x8e: {  	[smem:$0x3FB8] =	sst s2  }
0x8f: {  	_ = 	snop  }
0x90: {  	s18 =	sld [smem:$0x3FC9];
	(tm) =	ssettm $0x1  }
0x91: {  	s19 =	sld [smem:$0x3FFB];
	_ =	sdelay $0x3  }
0x92: {  	_ =	strace s19  }
0x93: {  	s2 =	sld [smem:$0x3FFC];
	_ =	sdelay $0x3  }
0x94: {  	_ =	strace s2  }
0x95: {  	s2 =	sld [smem:$0x3FFD];
	_ =	sdelay $0x3  }
0x96: {  	_ =	strace s2  }
0x97: {  	_ =	strace $0x8FFFFFFF  }
0x98: {  	s20 =	sld [smem:$0x3FDB];
	_ =	sdelay $0x1  }
0x99: {  	s4 =	simm.s32 $_scs_section_size  }
0x9a: {  	s5 =	simm.s32 $_size__tile_overlayer_lowered;
	s6 =	simm.s32 $_tile_overlayer_lowered  }
0x9b: {  	s7 =	simm.s32 $0x1BFF;
	s21 =	sshll.u32 s6, $0x1;
	s4 =	sadd.s32 s4, s20  }
0x9c: {  	s22 =	simm.s32 $0x0;
	s5 =	sshll.u32 s5, $0x1;
	s6 =	sadd.s32 s21, s4  }
0x9d: {  	[timem:s22], [sflag:s7] =	dma.local [hbm:s6], s5  }
0x9e: {  	_ =	swait.ge [sflag:s7], s5  }
0x9f: {  	s5 =	ssub.s32 $0x0, s5;
	[sflag:s7] =	ssyncset.done $0x0  }
0xa0: {  	[sflag:s7] =	ssyncadd.s32 s5;
	_ =	sdelay $0x1  }
0xa1: {  	s23 =	simm.s32 $0x1B8B  }
0xa2: {  	_ =	swait.ge [sflag:s23], $0x1  }
0xa3: {  	[sflag:s23] =	ssyncset.done $0x0  }
0xa4: {  	[sflag:s23] =	ssyncadd.s32 $0xFFFFFFFF  }
0xa5: {  	s5 =	sld [smem:$0x0]  }
0xa6: {  	s6 =	sand.u32 $0xFFFFFFFE, s1  }
0xa7: {  	p0 =	sne.s32 s1, s6  }
0xa8: {  	s6 =	sshll.u32 @p0 s6, $0xE  }
0xa9: {  	s6 =	sadd.s32 @p0 $0x11B8D, s6;
	s7 =	sshll.u32 @p0 s5, $0x11  }
0xaa: {  	s6 =	sor.u32 @p0 s7, s6  }
0xab: {  	[sflag:s6] =	ssyncadd.remote.s32 @p0 $0x1;
	_ =	sdelay $0x1  }
0xac: {  	s6 =	simm.s32 @p0 $0x1B8D  }
0xad: {  	_ =	swait.eq @p0 [sflag:s6], $0x1  }
0xae: {  	[sflag:s6] =	ssyncadd.s32 @p0 $0xFFFFFFFF  }
0xaf: {  	s7 =	sshll.u32 @!p0 s1, $0xE  }
0xb0: {  	s7 =	sor.u32 @!p0 $0x4000, s7;
	s6 =	simm.s32 @!p0 $0x1B8D  }
0xb1: {  	s5 =	sshll.u32 @!p0 s5, $0x11;
	s7 =	sadd.s32 @!p0 $0x11B8D, s7;
	_ =	swait.eq @!p0 [sflag:s6], $0x1  }
0xb2: {  	s5 =	sor.u32 @!p0 s5, s7;
	[sflag:s6] =	ssyncadd.s32 @!p0 $0xFFFFFFFF  }
0xb3: {  	s25 =	simm.s32 $0x1B8E;
	s24 =	sld [smem:$0x3FFE];
	[sflag:s5] =	ssyncadd.remote.s32 @!p0 $0x1  }
0xb4: {  	s26 =	simm.s32 $execute0_lowered;
	[smem:$0x3FD2] =	sst s25  }
0xb5: {  	s6 =	sshll.u32 s26, $0x1;
	_ =	strace $0x80000049;
	[dreg:$0x1] =	wrdreg $0xFFFFFFFF  }
0xb6: {  	s28 =	simm.s32 $_size_execute0_lowered;
	s4 =	sadd.s32 s4, s6;
	[dreg:$0x0] =	wrdreg $0x0  }
0xb7: {  	s6 =	sshll.u32 s28, $0x1;
	[dreg:$0x2] =	wrdreg s4  }
0xb8: {  	[dreg:$0x3] =	wrdreg s6  }
0xb9: {  	[dreg:$0x4] =	wrdreg $0xC0  }
0xba: {  	_ =	task [dreg:s22], $0x5FFFF  }
0xbb: {  	[dreg:$0x1] =	wrdreg $0xFFFFFFFF  }
0xbc: {  	[dreg:$0x0] =	wrdreg $0x60  }
0xbd: {  	[dreg:$0x2] =	wrdreg s18  }
0xbe: {  	[dreg:$0x3] =	wrdreg s24  }
0xbf: {  	[dreg:$0x4] =	wrdreg $0xA8000  }
0xc0: {  	[dreg:$0x5] =	wrdreg $0xA  }
0xc1: {  	_ =	task.clear_ibuf [dreg:s22], $0x6FFFF;
	_ =	strace $0x90000049  }
0xc2: {  	s29 =	simm.s32 $0xA;
	_ =	strace $0x8000004B  }
0xc3: {  	_ =	swait.ge [sflag:s29], $0x1  }
0xc4: {  	[sflag:s29] =	ssyncadd.s32 $0xFFFFFFFF  }
0xc5: {  	_ =	strace $0x9000004B  }
0xc6: {  	_ =	sfence  }
0xc7: {  	s30 =	sld [smem:$0x0];
	_ =	sdelay $0x2  }
0xc8: {  	s31 =	sshll.u32 s1, $0xD;
	s1 =	sshrl.u32 s1, $0x2  }
0xc9: {  	s4 =	sand.u32 $0x4000, s31;
	s1 =	sadd.s32 s1, s30  }
0xca: {  	s0 =	sor.u32 s4, s0;
	s1 =	sshll.u32 s1, $0x11  }
0xcb: {  	s0 =	sor.u32 s1, s0  }
0xcc: {  	s0 =	sadd.s32 $0x8F2B, s0  }
0xcd: {  	[sflag:s0] =	ssyncadd.remote.s32 $0x1  }
0xce: {  	_ =	sfence.sel $0xFFFF  }
0xcf: {  	[dreg:$0x0] =	wrdreg $0xFFFFFFFF;
	(pc) =	sbr.abs _section_cstart, $3  }
0xd0: {  	[dreg:$0x1] =	wrdreg $0xFFFFFFFF  }
0xd1: {  	_ =	task.clear_ibuf [dreg:s22], $0x2FFFF;
	_ =	strace $0x9FFFFFFF  }
0xd2: {  	(tm) =	ssettm $0x7FFFFFFF  }
0xd3: {  	_ =	shalt  }
tec
execute0_lowered:
.L_overlay_start_1:
0x0: {  	(tag) =	ssettag $0x1  }
0x1: {  	s1 =	rddreg [dreg:$0x0]  }
0x2: {  	s2 =	srdreg.scid;
	s6 =	rddreg [dreg:$0x1]  }
0x3: {  	s0 =	stileid.u32;
	s3 =	rddreg [dreg:$0x2]  }
0x4: {  	s4 =	simm.s32 $0x0;
	s14 =	simm.s32 $0x80;
	s15 =	simm.s32 $0x6800  }
0x5: {  	s16 =	simm.s32 $0x1;
	s17 =	simm.s32 $0x0;
	s5 =	sand.u32 $0x1, s2  }
0x6: {  	s28 =	sshll.u32 s0, $0x1;
	s8 =	smul.u32 $0x2800, s0;
	[smem:$0x7FF] =	sst s4  }
0x7: {  	s12 =	smul.u32 $0x50000, s0;
	s31 =	sshll.u32 s0, $0x6;
	s2 =	sor.u32 s5, s28  }
0x8: {  	s9 =	smul.u32 $0x28000, s5;
	s29 =	ssub.s32 $0x2, s5;
	p0 =	seq.s32 s5, $0x0  }
0x9: {  	s5 =	simm.s32 $0x66;
	s7 =	smul.u32 $0x680, s2;
	s2 =	rddreg [dreg:$0x3]  }
0xa: {  	_ =	strace $0x8000004A;
	s11 =	sshrl.u32 s29, $0x1;
	s30 =	sshrl.u32 s12, $0x2  }
0xb: {  	s5 =	simm.s32 @!p0 $0x37;
	s9 =	sadd.s32 s8, s9;
	s8 =	sadd.s32 s8, s6  }
0xc: {  	s11 =	ssub.s32 s29, s11;
	s12 =	sadd.s32 s30, s3;
	s10 =	sadd.s32 s7, s6  }
0xd: {  	s13 =	sadd.s32 s9, s6;
	s6 =	sadd.s32 $0x30C00, s8;
	s7 =	sor.u32 $0x1C02, s31  }
0xe: {  	s11 =	smax.u32 s11, $0x1;
	s12 =	sshrl.u32 s12, $0x3;
	s8 =	sadd.s32 $0x16C00, s10  }
0xf: {  	s9 =	sadd.s32 $0x23C00, s10;
	s10 =	sadd.s32 $0x58C00, s13;
	s13 =	simm.s32 $0x2  }
.LBB2_1:
0x10: {  	[spmem:s12], [sflag:s7] =	dma.local [hbm:s6], $0x2800  }
0x11: {  	_ =	swait.ge [sflag:s13], $0x2800  }
0x12: {  	[sflag:s13] =	ssyncset.done $0x0  }
0x13: {  	[sflag:s13] =	ssyncadd.s32 $0xFFFFD800  }
0x14: {  	[tilespmem:s4], [sflag:$0x2] =	stream.linear.gather [hbm4b:s8+s4], $0x3300, $0x38;
	[tilespmem:$0x1E800] =	vst v63  }
0x15: {  	_ =	swait.ge [sflag:s13], $0x3300  }
0x16: {  	[sflag:s13] =	ssyncset.done $0x0  }
0x17: {  	s18 =	simm.s32 $0x3400;
	[sflag:s13] =	ssyncadd.s32 $0xFFFFCD00  }
0x18: {  	[tilespmem:s18], [sflag:$0x2] =	stream.linear.gather [hbm4b:s9+s4], $0x3300, $0x38;
	[tilespmem:$0x1E800] =	vst v63  }
0x19: {  	_ =	swait.ge [sflag:s13], $0x3300  }
0x1a: {  	[sflag:s13] =	ssyncset.done $0x0  }
0x1b: {  	[sflag:s13] =	ssyncadd.s32 $0xFFFFCD00  }
0x1c: {  	[bflag:$0x0] =	sbarrier.arrive $0xFFFF  }
0x1d: {  	[tilespmem:s15], [sflag:$0x1] =	stream.indirect.gather [hbm4b:s1+s14], $0x80, s4, s14, $0xb8;
	[tilespmem:$0x1E800] =	vst v63  }
0x1e: {  	p0 =	sne.s32 s5, $0x1;
	_ =	swait.ge [sflag:s16], $0x4000  }
.Ltmp0:
0x1f: {  	[sflag:s16] =	ssyncset.done $0x0;
	(pc) =	sbr.rel @!p0 .LBB2_3-.Ltmp0, $4  }
0x20: {  	[sflag:s16] =	ssyncadd.s32 $0xFFFFC000  }
0x21: {  	[spmem:s3] =	stream.indirect.scatter.add.f32 [tilespmem:s15], [sflag:$0x2], $0x80, s18, s14, $0xb8;
	[tilespmem:$0x1E800] =	vst v63  }
0x22: {  	_ =	swait.ge [sflag:s13], $0x4000  }
0x23: {  	s19 =	sadd.s32 $0xFFFFFFFF, s5;
	s20 =	simm.s32 $0x0;
	[sflag:s13] =	ssyncset.done $0x0  }
.LBB2_2:
0x24: {  	[sflag:s13] =	ssyncadd.s32 $0xFFFFC000;
	s20 =	sadd.s32 $0x80, s20;
	s18 =	sadd.s32 $0x80, s18  }
0x25: {  	[tilespmem:s15], [sflag:$0x1] =	stream.indirect.gather [hbm4b:s1+s14], $0x80, s20, s14, $0xb8;
	[tilespmem:$0x1E800] =	vst v63  }
0x26: {  	p0 =	sne.s32 s19, $0x1;
	s19 =	sadd.s32 $0xFFFFFFFF, s19;
	_ =	swait.ge [sflag:s16], $0x4000  }
.Ltmp1:
0x27: {  	[sflag:s16] =	ssyncset.done $0x0;
	(pc) =	sbr.rel @p0 .LBB2_2-.Ltmp1, $4  }
0x28: {  	[sflag:s16] =	ssyncadd.s32 $0xFFFFC000  }
0x29: {  	[spmem:s3] =	stream.indirect.scatter.add.f32 [tilespmem:s15], [sflag:$0x2], $0x80, s18, s14, $0xb8;
	[tilespmem:$0x1E800] =	vst v63  }
0x2a: {  	_ =	swait.ge [sflag:s13], $0x4000  }
0x2b: {  	[sflag:s13] =	ssyncset.done $0x0  }
.LBB2_3:
0x2c: {  	s17 =	sadd.s32 $0x1, s17  }
0x2d: {  	[sflag:s13] =	ssyncadd.s32 $0xFFFFC000;
	p0 =	sne.s32 s17, s11  }
.Ltmp2:
0x2e: {  	[bflag:$0x0] =	sbarrier.arrive $0xFFFF;
	(pc) =	sbr.rel @p0 .LBB2_1-.Ltmp2, $4  }
0x2f: {  	[hbm:s10], [sflag:s7] =	dma.local [spmem:s12], $0x2800  }
0x30: {  	_ =	swait.ge [sflag:s13], $0x2800  }
0x31: {  	[sflag:s13] =	ssyncset.done $0x0  }
0x32: {  	[sflag:s13] =	ssyncadd.s32 $0xFFFFD800  }
0x33: {  	_ =	sfence.sel $0x180000  }
0x34: {  	[bflag:$0x0] =	sbarrier.arrive $0xFFFF  }
0x35: {  	p0 =	sne.s32 s0, $0x0;
	_ =	strace $0x9000004A  }
0x36: {  	s0 =	sadd.s32 @!p0 $0x100000, s2;
	[bflag:$0x2] =	sbarrier.arrive $0xFFFF  }
0x37: {  	[sflag:s0] =	ssyncadd.tile.s32 @!p0 $0x1;
	_ =	shalt  }
.Lfunc_end2:
_tile_overlayer_lowered:
.L_overlay_start_2:
0x38: {  	(tag) =	ssettag $0x2  }
0x39: {  	s0 =	rddreg [dreg:$0x0];
	s2 =	stileid.u32  }
0x3a: {  	s1 =	rddreg [dreg:$0x1];
	p0 =	sne.s32 s2, $0x0  }
0x3b: {  	s3 =	rddreg [dreg:$0x2];
	[bflag:$0x3] =	sbarrier.arrive $0xFFFF;
	s2 =	simm.s32 @!p0 $0x1C02  }
0x3c: {  	[timem:s3], [sflag:s2] =	dma.local @!p0 [hbm:s0], s1  }
0x3d: {  	s0 =	simm.s32 @!p0 $0x2  }
0x3e: {  	_ =	swait.ge @!p0 [sflag:s0], s1  }
0x3f: {  	s1 =	ssub.s32 @!p0 $0x0, s1;
	[sflag:s0] =	ssyncset.done @!p0 $0x0  }
0x40: {  	[sflag:s0] =	ssyncadd.s32 @!p0 s1  }
0x41: {  	[bflag:$0x3] =	sbarrier.arrive $0xFFFF  }
0x42: {  	_ =	shalt  }

// kernel: kernel.15.cloned.1.call-start
scs
__scs_entry_jumppad:
0x0: {  	(pc) =	sbr.rel $0x88, $3  }
0x1: {  	(tag) =	ssettag $0x0;
	lr =	simm.s32 $0x1  }
0x2: {  	[smem:$0x3F91] =	sst lr;
	_ =	strace $0xD0000000  }
0x3: {  	_ = 	snop  }
0x4: {  	_ = 	snop  }
0x5: {  	_ = 	snop  }
0x6: {  	_ = 	snop  }
0x7: {  	_ = 	snop  }
__scs_overlays_trampoline_lowered:
0x8: {  	[smem:$0x3FA0] =	sst s0  }
0x9: {  	[smem:$0x3FA1] =	sst s1  }
0xa: {  	[smem:$0x3FA2] =	sst s2  }
0xb: {  	[smem:$0x3FA3] =	sst s3  }
0xc: {  	[smem:$0x3FA4] =	sst s4  }
0xd: {  	[smem:$0x3FA5] =	sst s5  }
0xe: {  	[smem:$0x3FA6] =	sst s6  }
0xf: {  	[smem:$0x3FA7] =	sst s7  }
0x10: {  	[smem:$0x3FA8] =	sst s8  }
0x11: {  	[smem:$0x3FA9] =	sst s9;
	s0 =	simm.s32 @!p0 $0x0  }
0x12: {  	s1 =	sld [smem:$0x3F8F];
	s0 =	simm.s32 @p0 $0x1  }
0x13: {  	[smem:$0x3FAA] =	sst s0;
	s0 =	simm.s32 @!p1 $0x0  }
0x14: {  	s2 =	sld [smem:$0x3F8E];
	s0 =	simm.s32 @p1 $0x1  }
0x15: {  	[smem:$0x3FAB] =	sst s0;
	s0 =	simm.s32 @!p2 $0x0  }
0x16: {  	s3 =	sld [smem:$0x3FDB];
	s0 =	simm.s32 @p2 $0x1  }
0x17: {  	s4 =	simm.s32 $0x1BF5;
	[smem:$0x3FAD] =	sst s0  }
0x18: {  	s0 =	sld [smem:$0x3F90];
	_ =	swait.ge [sflag:s4], $0x0  }
0x19: {  	s7 =	sld [smem:$0x3F91]  }
0x1a: {  	s8 =	sadd.s32 $0xFFFFE003, lr  }
0x1b: {  	s9 =	sadd.s32 $0xFFFFFEF7, lr;
	s5 =	simm.s32 $0xFFFFFFFF;
	p2 =	slt.u32 s8, $0xFFFFF086  }
0x1c: {  	p1 =	slt.u32 s9, $0xF7A;
	s5 =	simm.s32 @!p2 $0x0  }
0x1d: {  	s5 =	simm.s32 @p1 $0x1;
	p0 =	seq.s32 s7, s2  }
0x1e: {  	s7 =	smul.u32 @!p0 $0xF7A, s2;
	p2 =	seq.s32 @!p0 s5, $0x0  }
0x1f: {  	s9 =	smul.u32 $0xF7A, s1;
	s8 =	simm.s32 @!p0 $0x1BF5;
	p2 =	por !p2, p0  }
0x20: {  	[sflag:s8] =	ssyncset.s32 @!p0 $0xFFFFF086;
	s6 =	sadd.s32 @!p0 s3, s7;
	s7 =	simm.s32 @!p0 $0x108  }
0x21: {  	s3 =	sadd.s32 s3, s9;
	s6 =	sadd.s32 @!p0 $0x88, s6;
	s7 =	simm.s32 @p2 $0x1082  }
0x22: {  	[simem:s7], [sflag:s8] =	dma.local @!p0 [hbm:s6], $0xF7A  }
0x23: {  	s9 =	sor.u32 $0xD0000000, s2;
	s6 =	simm.s32 $0x108;
	_ =	swait.ge @!p0 [sflag:s8], $0x0  }
0x24: {  	s3 =	sadd.s32 $0x88, s3;
	s6 =	simm.s32 @!p1 $0x1082;
	[sflag:s4] =	ssyncset.s32 $0xFFFFF086  }
0x25: {  	[simem:s6], [sflag:s4] =	dma.local [hbm:s3], $0xF7A  }
0x26: {  	[smem:$0x3F91] =	sst s1;
	(tag) =	ssettag s2;
	_ =	strace s9  }
0x27: {  	s1 =	sld [smem:$0x3FA1]  }
0x28: {  	s2 =	sld [smem:$0x3FA2]  }
0x29: {  	s4 =	sld [smem:$0x3FA4]  }
0x2a: {  	p0 =	seq.s32 s5, $0x0;
	s5 =	sld [smem:$0x3FA5]  }
0x2b: {  	s6 =	sld [smem:$0x3FA6]  }
0x2c: {  	s7 =	sld [smem:$0x3FA7]  }
0x2d: {  	s3 =	simm.s32 $0x108;
	s8 =	sld [smem:$0x3FA8]  }
0x2e: {  	s3 =	simm.s32 @!p0 $0x1082;
	s9 =	sld [smem:$0x3FA9]  }
0x2f: {  	lr =	sadd.s32 s0, s3;
	s0 =	sld [smem:$0x3FA0]  }
0x30: {  	s3 =	sld [smem:$0x3FA3]  }
0x31: {  	[smem:$0x3FAC] =	sst s10  }
0x32: {  	s10 =	sld [smem:$0x3FAA];
	_ =	sdelay $0x3  }
0x33: {  	p0 =	seq.s32 s10, $0x1;
	s10 =	sld [smem:$0x3FAC];
	_ =	sdelay $0x3  }
0x34: {  	[smem:$0x3FAC] =	sst s10  }
0x35: {  	s10 =	sld [smem:$0x3FAB];
	_ =	sdelay $0x3  }
0x36: {  	p1 =	seq.s32 s10, $0x1;
	s10 =	sld [smem:$0x3FAC];
	_ =	sdelay $0x3  }
0x37: {  	[smem:$0x3FAC] =	sst s10  }
0x38: {  	s10 =	sld [smem:$0x3FAD]  }
0x39: {  	_ = 	snop;
	(pc) =	sbr.ind lr, $3  }
0x3a: {  	_ = 	snop  }
0x3b: {  	_ = 	snop  }
0x3c: {  	p2 =	seq.s32 s10, $0x1;
	s10 =	sld [smem:$0x3FAC]  }
0x3d: {  	_ =	shalt  }
0x3e: {  	_ =	shalt  }
0x3f: {  	_ =	shalt  }
0x40: {  	_ =	shalt  }
0x41: {  	_ =	shalt  }
0x42: {  	_ =	shalt  }
0x43: {  	_ =	shalt  }
0x44: {  	_ =	shalt  }
0x45: {  	_ =	shalt  }
0x46: {  	_ =	shalt  }
0x47: {  	_ =	shalt  }
0x48: {  	_ =	shalt  }
0x49: {  	_ =	shalt  }
0x4a: {  	_ =	shalt  }
0x4b: {  	_ =	shalt  }
0x4c: {  	_ =	shalt  }
0x4d: {  	_ =	shalt  }
0x4e: {  	_ =	shalt  }
0x4f: {  	_ =	shalt  }
0x50: {  	_ =	shalt  }
0x51: {  	_ =	shalt  }
0x52: {  	_ =	shalt  }
0x53: {  	_ =	shalt  }
0x54: {  	_ =	shalt  }
0x55: {  	_ =	shalt  }
0x56: {  	_ =	shalt  }
0x57: {  	_ =	shalt  }
0x58: {  	_ =	shalt  }
0x59: {  	_ =	shalt  }
0x5a: {  	_ =	shalt  }
0x5b: {  	_ =	shalt  }
0x5c: {  	_ =	shalt  }
0x5d: {  	_ =	shalt  }
0x5e: {  	_ =	shalt  }
0x5f: {  	_ =	shalt  }
0x60: {  	_ =	shalt  }
0x61: {  	_ =	shalt  }
0x62: {  	_ =	shalt  }
0x63: {  	_ =	shalt  }
0x64: {  	_ =	shalt  }
0x65: {  	_ =	shalt  }
0x66: {  	_ =	shalt  }
0x67: {  	_ =	shalt  }
0x68: {  	_ =	shalt  }
0x69: {  	_ =	shalt  }
0x6a: {  	_ =	shalt  }
0x6b: {  	_ =	shalt  }
0x6c: {  	_ =	shalt  }
0x6d: {  	_ =	shalt  }
0x6e: {  	_ =	shalt  }
0x6f: {  	_ =	shalt  }
0x70: {  	_ =	shalt  }
0x71: {  	_ =	shalt  }
0x72: {  	_ =	shalt  }
0x73: {  	_ =	shalt  }
0x74: {  	_ =	shalt  }
0x75: {  	_ =	shalt  }
0x76: {  	_ =	shalt  }
0x77: {  	_ =	shalt  }
0x78: {  	_ =	shalt  }
0x79: {  	_ =	shalt  }
0x7a: {  	_ =	shalt  }
0x7b: {  	_ =	shalt  }
0x7c: {  	_ =	shalt  }
0x7d: {  	_ =	shalt  }
0x7e: {  	_ =	shalt  }
0x7f: {  	_ =	shalt  }
0x80: {  	_ =	shalt  }
0x81: {  	_ =	shalt  }
0x82: {  	_ =	shalt  }
0x83: {  	_ =	shalt  }
0x84: {  	_ =	shalt  }
0x85: {  	_ =	shalt  }
0x86: {  	_ =	shalt  }
0x87: {  	_ =	shalt  }
.Lfunc_end0:
.L_simem_size_0:
called_computation.2_lowered:
.L_overlay_start_0:
0x88: {  	s2 =	sld [smem:$0x3FD9]  }
0x89: {  	s3 =	sld [smem:$0x3FFE];
	_ =	sdelay $0x1  }
0x8a: {  	s1 =	srdreg.scid  }
0x8b: {  	s0 =	sand.u32 $0x1, s1  }
0x8c: {  	s16 =	sshll.u32 s0, $0xA;
	s2 =	sadd.s32 s3, s2  }
0x8d: {  	s2 =	sadd.s32 s2, s16  }
0x8e: {  	[smem:$0x3FB8] =	sst s2  }
0x8f: {  	_ = 	snop  }
0x90: {  	(tm) =	ssettm $0x1  }
0x91: {  	s17 =	sld [smem:$0x3FFB];
	_ =	sdelay $0x3  }
0x92: {  	_ =	strace s17  }
0x93: {  	s2 =	sld [smem:$0x3FFC];
	_ =	sdelay $0x3  }
0x94: {  	_ =	strace s2  }
0x95: {  	s2 =	sld [smem:$0x3FFD];
	_ =	sdelay $0x3  }
0x96: {  	_ =	strace s2  }
0x97: {  	_ =	strace $0x8FFFFFFF  }
0x98: {  	s18 =	sld [smem:$0x3FDB];
	_ =	sdelay $0x1  }
0x99: {  	s19 =	simm.s32 $_scs_section_size  }
0x9a: {  	s4 =	simm.s32 $_size__tile_overlayer_lowered;
	s5 =	simm.s32 $_tile_overlayer_lowered  }
0x9b: {  	s22 =	simm.s32 $0x1BFF;
	s21 =	sshll.u32 s5, $0x1;
	s2 =	sadd.s32 s19, s18  }
0x9c: {  	s6 =	simm.s32 $0x0;
	s20 =	sshll.u32 s4, $0x1;
	s4 =	sadd.s32 s21, s2  }
0x9d: {  	[timem:s6], [sflag:s22] =	dma.local [hbm:s4], s20  }
0x9e: {  	_ =	swait.ge [sflag:s22], s20  }
0x9f: {  	s3 =	ssub.s32 $0x0, s20;
	[sflag:s22] =	ssyncset.done $0x0  }
0xa0: {  	[sflag:s22] =	ssyncadd.s32 s3;
	_ =	sdelay $0x1  }
0xa1: {  	s23 =	simm.s32 $0x1B8B  }
0xa2: {  	_ =	swait.ge [sflag:s23], $0x1  }
0xa3: {  	[sflag:s23] =	ssyncset.done $0x0  }
0xa4: {  	s25 =	simm.s32 $0x1B8E;
	s24 =	sld [smem:$0x3FFE];
	[sflag:s23] =	ssyncadd.s32 $0xFFFFFFFF  }
0xa5: {  	s26 =	simm.s32 $execute0_lowered;
	[smem:$0x3FD2] =	sst s25  }
0xa6: {  	s4 =	sshll.u32 s26, $0x1;
	_ =	strace $0x8000004C;
	[dreg:$0x1] =	wrdreg $0xFFFFFFFF  }
0xa7: {  	s28 =	simm.s32 $_size_execute0_lowered;
	s2 =	sadd.s32 s2, s4;
	[dreg:$0x0] =	wrdreg $0x0  }
0xa8: {  	s4 =	sshll.u32 s28, $0x1;
	[dreg:$0x2] =	wrdreg s2  }
0xa9: {  	[dreg:$0x3] =	wrdreg s4  }
0xaa: {  	[dreg:$0x4] =	wrdreg $0xC0  }
0xab: {  	_ =	task [dreg:s6], $0x5FFFF  }
0xac: {  	[dreg:$0x1] =	wrdreg $0xFFFFFFFF  }
0xad: {  	[dreg:$0x0] =	wrdreg $0x60  }
0xae: {  	[dreg:$0x2] =	wrdreg s24  }
0xaf: {  	[dreg:$0x3] =	wrdreg $0xA8000  }
0xb0: {  	[dreg:$0x4] =	wrdreg $0x9  }
0xb1: {  	_ =	task.clear_ibuf [dreg:s6], $0x5FFFF;
	_ =	strace $0x9000004C  }
0xb2: {  	s29 =	simm.s32 $0x9;
	_ =	strace $0x8000004E  }
0xb3: {  	_ =	swait.ge [sflag:s29], $0x1  }
0xb4: {  	[sflag:s29] =	ssyncadd.s32 $0xFFFFFFFF  }
0xb5: {  	_ =	strace $0x9000004E  }
0xb6: {  	_ =	sfence  }
0xb7: {  	s30 =	sld [smem:$0x0];
	_ =	sdelay $0x2  }
0xb8: {  	s31 =	sshll.u32 s1, $0xD;
	s1 =	sshrl.u32 s1, $0x2  }
0xb9: {  	s3 =	sand.u32 $0x4000, s31;
	s1 =	sadd.s32 s1, s30  }
0xba: {  	s0 =	sor.u32 s3, s0;
	s1 =	sshll.u32 s1, $0x11  }
0xbb: {  	s0 =	sor.u32 s1, s0  }
0xbc: {  	s0 =	sadd.s32 $0x8F2B, s0  }
0xbd: {  	[sflag:s0] =	ssyncadd.remote.s32 $0x1  }
0xbe: {  	_ =	sfence.sel $0xFFFF  }
0xbf: {  	[dreg:$0x0] =	wrdreg $0xFFFFFFFF;
	(pc) =	sbr.abs _section_cstart, $3  }
0xc0: {  	[dreg:$0x1] =	wrdreg $0xFFFFFFFF  }
0xc1: {  	_ =	task.clear_ibuf [dreg:s6], $0x2FFFF;
	_ =	strace $0x9FFFFFFF  }
0xc2: {  	(tm) =	ssettm $0x7FFFFFFF  }
0xc3: {  	_ =	shalt  }
tec
execute0_lowered:
.L_overlay_start_1:
0x0: {  	(tag) =	ssettag $0x1  }
0x1: {  	s1 =	srdreg.scid;
	s5 =	rddreg [dreg:$0x0]  }
0x2: {  	s0 =	stileid.u32;
	s2 =	rddreg [dreg:$0x1];
	s3 =	simm.s32 $0x0  }
0x3: {  	s14 =	simm.s32 $0x80;
	s15 =	simm.s32 $0x6800;
	s16 =	simm.s32 $0x1  }
0x4: {  	s17 =	simm.s32 $0x0;
	s6 =	sand.u32 $0x1, s1;
	s1 =	rddreg [dreg:$0x2]  }
0x5: {  	s28 =	sshll.u32 s0, $0x1;
	[smem:$0x7FF] =	sst s3;
	s8 =	smul.u32 $0x2800, s0  }
0x6: {  	s12 =	smul.u32 $0x50000, s0;
	s31 =	sshll.u32 s0, $0x6;
	s4 =	sor.u32 s6, s28  }
0x7: {  	_ =	strace $0x8000004D;
	s9 =	smul.u32 $0x28000, s6;
	s29 =	ssub.s32 $0x2, s6  }
0x8: {  	p0 =	seq.s32 s6, $0x0;
	s7 =	smul.u32 $0x680, s4;
	s4 =	sadd.s32 $0x58C00, s5  }
0x9: {  	s11 =	sshrl.u32 s29, $0x1;
	s30 =	sshrl.u32 s12, $0x2;
	s9 =	sadd.s32 s8, s9  }
0xa: {  	s8 =	sadd.s32 s8, s5;
	s11 =	ssub.s32 s29, s11;
	s12 =	sadd.s32 s30, s2  }
0xb: {  	s10 =	sadd.s32 s7, s5;
	s13 =	sadd.s32 s9, s5;
	s5 =	simm.s32 $0x66  }
0xc: {  	s6 =	sadd.s32 $0x30C00, s8;
	s7 =	sor.u32 $0x1C02, s31;
	s11 =	smax.u32 s11, $0x1  }
0xd: {  	s12 =	sshrl.u32 s12, $0x3;
	s5 =	simm.s32 @!p0 $0x37;
	s8 =	sadd.s32 $0x16C00, s10  }
0xe: {  	s9 =	sadd.s32 $0x23C00, s10;
	s10 =	sadd.s32 $0x7FE00, s13;
	s13 =	simm.s32 $0x2  }
.LBB2_1:
0xf: {  	[spmem:s12], [sflag:s7] =	dma.local [hbm:s6], $0x2800  }
0x10: {  	_ =	swait.ge [sflag:s13], $0x2800  }
0x11: {  	[sflag:s13] =	ssyncset.done $0x0  }
0x12: {  	[sflag:s13] =	ssyncadd.s32 $0xFFFFD800  }
0x13: {  	[tilespmem:s3], [sflag:$0x2] =	stream.linear.gather [hbm4b:s8+s3], $0x3300, $0x38;
	[tilespmem:$0x1E800] =	vst v63  }
0x14: {  	_ =	swait.ge [sflag:s13], $0x3300  }
0x15: {  	[sflag:s13] =	ssyncset.done $0x0  }
0x16: {  	s18 =	simm.s32 $0x3400;
	[sflag:s13] =	ssyncadd.s32 $0xFFFFCD00  }
0x17: {  	[tilespmem:s18], [sflag:$0x2] =	stream.linear.gather [hbm4b:s9+s3], $0x3300, $0x38;
	[tilespmem:$0x1E800] =	vst v63  }
0x18: {  	_ =	swait.ge [sflag:s13], $0x3300  }
0x19: {  	[sflag:s13] =	ssyncset.done $0x0  }
0x1a: {  	[sflag:s13] =	ssyncadd.s32 $0xFFFFCD00  }
0x1b: {  	[bflag:$0x0] =	sbarrier.arrive $0xFFFF  }
0x1c: {  	[tilespmem:s15], [sflag:$0x1] =	stream.indirect.gather [hbm4b:s4+s14], $0x80, s3, s14, $0xb8;
	[tilespmem:$0x1E800] =	vst v63  }
0x1d: {  	p0 =	sne.s32 s5, $0x1;
	_ =	swait.ge [sflag:s16], $0x4000  }
.Ltmp0:
0x1e: {  	[sflag:s16] =	ssyncset.done $0x0;
	(pc) =	sbr.rel @!p0 .LBB2_3-.Ltmp0, $4  }
0x1f: {  	[sflag:s16] =	ssyncadd.s32 $0xFFFFC000  }
0x20: {  	[spmem:s2] =	stream.indirect.scatter.add.f32 [tilespmem:s15], [sflag:$0x2], $0x80, s18, s14, $0xb8;
	[tilespmem:$0x1E800] =	vst v63  }
0x21: {  	_ =	swait.ge [sflag:s13], $0x4000  }
0x22: {  	s19 =	sadd.s32 $0xFFFFFFFF, s5;
	s20 =	simm.s32 $0x0;
	[sflag:s13] =	ssyncset.done $0x0  }
.LBB2_2:
0x23: {  	[sflag:s13] =	ssyncadd.s32 $0xFFFFC000;
	s20 =	sadd.s32 $0x80, s20;
	s18 =	sadd.s32 $0x80, s18  }
0x24: {  	[tilespmem:s15], [sflag:$0x1] =	stream.indirect.gather [hbm4b:s4+s14], $0x80, s20, s14, $0xb8;
	[tilespmem:$0x1E800] =	vst v63  }
0x25: {  	p0 =	sne.s32 s19, $0x1;
	s19 =	sadd.s32 $0xFFFFFFFF, s19;
	_ =	swait.ge [sflag:s16], $0x4000  }
.Ltmp1:
0x26: {  	[sflag:s16] =	ssyncset.done $0x0;
	(pc) =	sbr.rel @p0 .LBB2_2-.Ltmp1, $4  }
0x27: {  	[sflag:s16] =	ssyncadd.s32 $0xFFFFC000  }
0x28: {  	[spmem:s2] =	stream.indirect.scatter.add.f32 [tilespmem:s15], [sflag:$0x2], $0x80, s18, s14, $0xb8;
	[tilespmem:$0x1E800] =	vst v63  }
0x29: {  	_ =	swait.ge [sflag:s13], $0x4000  }
0x2a: {  	[sflag:s13] =	ssyncset.done $0x0  }
.LBB2_3:
0x2b: {  	s17 =	sadd.s32 $0x1, s17  }
0x2c: {  	[sflag:s13] =	ssyncadd.s32 $0xFFFFC000;
	p0 =	sne.s32 s17, s11  }
.Ltmp2:
0x2d: {  	[bflag:$0x0] =	sbarrier.arrive $0xFFFF;
	(pc) =	sbr.rel @p0 .LBB2_1-.Ltmp2, $4  }
0x2e: {  	[hbm:s10], [sflag:s7] =	dma.local [spmem:s12], $0x2800  }
0x2f: {  	_ =	swait.ge [sflag:s13], $0x2800  }
0x30: {  	[sflag:s13] =	ssyncset.done $0x0  }
0x31: {  	[sflag:s13] =	ssyncadd.s32 $0xFFFFD800  }
0x32: {  	_ =	sfence.sel $0x180000  }
0x33: {  	[bflag:$0x0] =	sbarrier.arrive $0xFFFF  }
0x34: {  	p0 =	sne.s32 s0, $0x0;
	_ =	strace $0x9000004D  }
0x35: {  	s0 =	sadd.s32 @!p0 $0x100000, s1;
	[bflag:$0x2] =	sbarrier.arrive $0xFFFF  }
0x36: {  	[sflag:s0] =	ssyncadd.tile.s32 @!p0 $0x1;
	_ =	shalt  }
.Lfunc_end2:
_tile_overlayer_lowered:
.L_overlay_start_2:
0x37: {  	(tag) =	ssettag $0x2  }
0x38: {  	s0 =	rddreg [dreg:$0x0];
	s2 =	stileid.u32  }
0x39: {  	s1 =	rddreg [dreg:$0x1];
	p0 =	sne.s32 s2, $0x0  }
0x3a: {  	s3 =	rddreg [dreg:$0x2];
	[bflag:$0x3] =	sbarrier.arrive $0xFFFF;
	s2 =	simm.s32 @!p0 $0x1C02  }
0x3b: {  	[timem:s3], [sflag:s2] =	dma.local @!p0 [hbm:s0], s1  }
0x3c: {  	s0 =	simm.s32 @!p0 $0x2  }
0x3d: {  	_ =	swait.ge @!p0 [sflag:s0], s1  }
0x3e: {  	s1 =	ssub.s32 @!p0 $0x0, s1;
	[sflag:s0] =	ssyncset.done @!p0 $0x0  }
0x3f: {  	[sflag:s0] =	ssyncadd.s32 @!p0 s1  }
0x40: {  	[bflag:$0x3] =	sbarrier.arrive $0xFFFF  }
0x41: {  	_ =	shalt  }

// kernel: kernel.18.cloned.1.call-start
scs
__scs_entry_jumppad:
0x0: {  	(pc) =	sbr.rel $0x88, $3  }
0x1: {  	(tag) =	ssettag $0x0;
	lr =	simm.s32 $0x1  }
0x2: {  	[smem:$0x3F91] =	sst lr;
	_ =	strace $0xD0000000  }
0x3: {  	_ = 	snop  }
0x4: {  	_ = 	snop  }
0x5: {  	_ = 	snop  }
0x6: {  	_ = 	snop  }
0x7: {  	_ = 	snop  }
__scs_overlays_trampoline_lowered:
0x8: {  	[smem:$0x3FA0] =	sst s0  }
0x9: {  	[smem:$0x3FA1] =	sst s1  }
0xa: {  	[smem:$0x3FA2] =	sst s2  }
0xb: {  	[smem:$0x3FA3] =	sst s3  }
0xc: {  	[smem:$0x3FA4] =	sst s4  }
0xd: {  	[smem:$0x3FA5] =	sst s5  }
0xe: {  	[smem:$0x3FA6] =	sst s6  }
0xf: {  	[smem:$0x3FA7] =	sst s7  }
0x10: {  	[smem:$0x3FA8] =	sst s8  }
0x11: {  	[smem:$0x3FA9] =	sst s9;
	s0 =	simm.s32 @!p0 $0x0  }
0x12: {  	s1 =	sld [smem:$0x3F8F];
	s0 =	simm.s32 @p0 $0x1  }
0x13: {  	[smem:$0x3FAA] =	sst s0;
	s0 =	simm.s32 @!p1 $0x0  }
0x14: {  	s2 =	sld [smem:$0x3F8E];
	s0 =	simm.s32 @p1 $0x1  }
0x15: {  	[smem:$0x3FAB] =	sst s0;
	s0 =	simm.s32 @!p2 $0x0  }
0x16: {  	s3 =	sld [smem:$0x3FDB];
	s0 =	simm.s32 @p2 $0x1  }
0x17: {  	s4 =	simm.s32 $0x1BF5;
	[smem:$0x3FAD] =	sst s0  }
0x18: {  	s0 =	sld [smem:$0x3F90];
	_ =	swait.ge [sflag:s4], $0x0  }
0x19: {  	s7 =	sld [smem:$0x3F91]  }
0x1a: {  	s8 =	sadd.s32 $0xFFFFE003, lr  }
0x1b: {  	s9 =	sadd.s32 $0xFFFFFEF7, lr;
	s5 =	simm.s32 $0xFFFFFFFF;
	p2 =	slt.u32 s8, $0xFFFFF086  }
0x1c: {  	p1 =	slt.u32 s9, $0xF7A;
	s5 =	simm.s32 @!p2 $0x0  }
0x1d: {  	s5 =	simm.s32 @p1 $0x1;
	p0 =	seq.s32 s7, s2  }
0x1e: {  	s7 =	smul.u32 @!p0 $0xF7A, s2;
	p2 =	seq.s32 @!p0 s5, $0x0  }
0x1f: {  	s9 =	smul.u32 $0xF7A, s1;
	s8 =	simm.s32 @!p0 $0x1BF5;
	p2 =	por !p2, p0  }
0x20: {  	[sflag:s8] =	ssyncset.s32 @!p0 $0xFFFFF086;
	s6 =	sadd.s32 @!p0 s3, s7;
	s7 =	simm.s32 @!p0 $0x108  }
0x21: {  	s3 =	sadd.s32 s3, s9;
	s6 =	sadd.s32 @!p0 $0x88, s6;
	s7 =	simm.s32 @p2 $0x1082  }
0x22: {  	[simem:s7], [sflag:s8] =	dma.local @!p0 [hbm:s6], $0xF7A  }
0x23: {  	s9 =	sor.u32 $0xD0000000, s2;
	s6 =	simm.s32 $0x108;
	_ =	swait.ge @!p0 [sflag:s8], $0x0  }
0x24: {  	s3 =	sadd.s32 $0x88, s3;
	s6 =	simm.s32 @!p1 $0x1082;
	[sflag:s4] =	ssyncset.s32 $0xFFFFF086  }
0x25: {  	[simem:s6], [sflag:s4] =	dma.local [hbm:s3], $0xF7A  }
0x26: {  	[smem:$0x3F91] =	sst s1;
	(tag) =	ssettag s2;
	_ =	strace s9  }
0x27: {  	s1 =	sld [smem:$0x3FA1]  }
0x28: {  	s2 =	sld [smem:$0x3FA2]  }
0x29: {  	s4 =	sld [smem:$0x3FA4]  }
0x2a: {  	p0 =	seq.s32 s5, $0x0;
	s5 =	sld [smem:$0x3FA5]  }
0x2b: {  	s6 =	sld [smem:$0x3FA6]  }
0x2c: {  	s7 =	sld [smem:$0x3FA7]  }
0x2d: {  	s3 =	simm.s32 $0x108;
	s8 =	sld [smem:$0x3FA8]  }
0x2e: {  	s3 =	simm.s32 @!p0 $0x1082;
	s9 =	sld [smem:$0x3FA9]  }
0x2f: {  	lr =	sadd.s32 s0, s3;
	s0 =	sld [smem:$0x3FA0]  }
0x30: {  	s3 =	sld [smem:$0x3FA3]  }
0x31: {  	[smem:$0x3FAC] =	sst s10  }
0x32: {  	s10 =	sld [smem:$0x3FAA];
	_ =	sdelay $0x3  }
0x33: {  	p0 =	seq.s32 s10, $0x1;
	s10 =	sld [smem:$0x3FAC];
	_ =	sdelay $0x3  }
0x34: {  	[smem:$0x3FAC] =	sst s10  }
0x35: {  	s10 =	sld [smem:$0x3FAB];
	_ =	sdelay $0x3  }
0x36: {  	p1 =	seq.s32 s10, $0x1;
	s10 =	sld [smem:$0x3FAC];
	_ =	sdelay $0x3  }
0x37: {  	[smem:$0x3FAC] =	sst s10  }
0x38: {  	s10 =	sld [smem:$0x3FAD]  }
0x39: {  	_ = 	snop;
	(pc) =	sbr.ind lr, $3  }
0x3a: {  	_ = 	snop  }
0x3b: {  	_ = 	snop  }
0x3c: {  	p2 =	seq.s32 s10, $0x1;
	s10 =	sld [smem:$0x3FAC]  }
0x3d: {  	_ =	shalt  }
0x3e: {  	_ =	shalt  }
0x3f: {  	_ =	shalt  }
0x40: {  	_ =	shalt  }
0x41: {  	_ =	shalt  }
0x42: {  	_ =	shalt  }
0x43: {  	_ =	shalt  }
0x44: {  	_ =	shalt  }
0x45: {  	_ =	shalt  }
0x46: {  	_ =	shalt  }
0x47: {  	_ =	shalt  }
0x48: {  	_ =	shalt  }
0x49: {  	_ =	shalt  }
0x4a: {  	_ =	shalt  }
0x4b: {  	_ =	shalt  }
0x4c: {  	_ =	shalt  }
0x4d: {  	_ =	shalt  }
0x4e: {  	_ =	shalt  }
0x4f: {  	_ =	shalt  }
0x50: {  	_ =	shalt  }
0x51: {  	_ =	shalt  }
0x52: {  	_ =	shalt  }
0x53: {  	_ =	shalt  }
0x54: {  	_ =	shalt  }
0x55: {  	_ =	shalt  }
0x56: {  	_ =	shalt  }
0x57: {  	_ =	shalt  }
0x58: {  	_ =	shalt  }
0x59: {  	_ =	shalt  }
0x5a: {  	_ =	shalt  }
0x5b: {  	_ =	shalt  }
0x5c: {  	_ =	shalt  }
0x5d: {  	_ =	shalt  }
0x5e: {  	_ =	shalt  }
0x5f: {  	_ =	shalt  }
0x60: {  	_ =	shalt  }
0x61: {  	_ =	shalt  }
0x62: {  	_ =	shalt  }
0x63: {  	_ =	shalt  }
0x64: {  	_ =	shalt  }
0x65: {  	_ =	shalt  }
0x66: {  	_ =	shalt  }
0x67: {  	_ =	shalt  }
0x68: {  	_ =	shalt  }
0x69: {  	_ =	shalt  }
0x6a: {  	_ =	shalt  }
0x6b: {  	_ =	shalt  }
0x6c: {  	_ =	shalt  }
0x6d: {  	_ =	shalt  }
0x6e: {  	_ =	shalt  }
0x6f: {  	_ =	shalt  }
0x70: {  	_ =	shalt  }
0x71: {  	_ =	shalt  }
0x72: {  	_ =	shalt  }
0x73: {  	_ =	shalt  }
0x74: {  	_ =	shalt  }
0x75: {  	_ =	shalt  }
0x76: {  	_ =	shalt  }
0x77: {  	_ =	shalt  }
0x78: {  	_ =	shalt  }
0x79: {  	_ =	shalt  }
0x7a: {  	_ =	shalt  }
0x7b: {  	_ =	shalt  }
0x7c: {  	_ =	shalt  }
0x7d: {  	_ =	shalt  }
0x7e: {  	_ =	shalt  }
0x7f: {  	_ =	shalt  }
0x80: {  	_ =	shalt  }
0x81: {  	_ =	shalt  }
0x82: {  	_ =	shalt  }
0x83: {  	_ =	shalt  }
0x84: {  	_ =	shalt  }
0x85: {  	_ =	shalt  }
0x86: {  	_ =	shalt  }
0x87: {  	_ =	shalt  }
.Lfunc_end0:
.L_simem_size_0:
called_computation.3_lowered:
.L_overlay_start_0:
0x88: {  	s2 =	sld [smem:$0x3FD9]  }
0x89: {  	s3 =	sld [smem:$0x3FFE];
	_ =	sdelay $0x1  }
0x8a: {  	s1 =	srdreg.scid  }
0x8b: {  	s0 =	sand.u32 $0x1, s1  }
0x8c: {  	s16 =	sshll.u32 s0, $0xA;
	s2 =	sadd.s32 s3, s2  }
0x8d: {  	s2 =	sadd.s32 s2, s16  }
0x8e: {  	[smem:$0x3FB8] =	sst s2  }
0x8f: {  	_ = 	snop  }
0x90: {  	(tm) =	ssettm $0x1  }
0x91: {  	s17 =	sld [smem:$0x3FFB];
	_ =	sdelay $0x3  }
0x92: {  	_ =	strace s17  }
0x93: {  	s2 =	sld [smem:$0x3FFC];
	_ =	sdelay $0x3  }
0x94: {  	_ =	strace s2  }
0x95: {  	s2 =	sld [smem:$0x3FFD];
	_ =	sdelay $0x3  }
0x96: {  	_ =	strace s2  }
0x97: {  	_ =	strace $0x8FFFFFFF  }
0x98: {  	s18 =	sld [smem:$0x3FDB];
	_ =	sdelay $0x1  }
0x99: {  	s19 =	simm.s32 $_scs_section_size  }
0x9a: {  	s4 =	simm.s32 $_size__tile_overlayer_lowered;
	s5 =	simm.s32 $_tile_overlayer_lowered  }
0x9b: {  	s22 =	simm.s32 $0x1BFF;
	s21 =	sshll.u32 s5, $0x1;
	s2 =	sadd.s32 s19, s18  }
0x9c: {  	s6 =	simm.s32 $0x0;
	s20 =	sshll.u32 s4, $0x1;
	s4 =	sadd.s32 s21, s2  }
0x9d: {  	[timem:s6], [sflag:s22] =	dma.local [hbm:s4], s20  }
0x9e: {  	_ =	swait.ge [sflag:s22], s20  }
0x9f: {  	s3 =	ssub.s32 $0x0, s20;
	[sflag:s22] =	ssyncset.done $0x0  }
0xa0: {  	[sflag:s22] =	ssyncadd.s32 s3;
	_ =	sdelay $0x1  }
0xa1: {  	s23 =	simm.s32 $0x1B8B  }
0xa2: {  	_ =	swait.ge [sflag:s23], $0x1  }
0xa3: {  	[sflag:s23] =	ssyncset.done $0x0  }
0xa4: {  	s25 =	simm.s32 $0x1B8E;
	s24 =	sld [smem:$0x3FFE];
	[sflag:s23] =	ssyncadd.s32 $0xFFFFFFFF  }
0xa5: {  	s26 =	simm.s32 $execute0_lowered;
	[smem:$0x3FD2] =	sst s25  }
0xa6: {  	s4 =	sshll.u32 s26, $0x1;
	_ =	strace $0x8000004F;
	[dreg:$0x1] =	wrdreg $0xFFFFFFFF  }
0xa7: {  	s28 =	simm.s32 $_size_execute0_lowered;
	s2 =	sadd.s32 s2, s4;
	[dreg:$0x0] =	wrdreg $0x0  }
0xa8: {  	s4 =	sshll.u32 s28, $0x1;
	[dreg:$0x2] =	wrdreg s2  }
0xa9: {  	[dreg:$0x3] =	wrdreg s4  }
0xaa: {  	[dreg:$0x4] =	wrdreg $0xC0  }
0xab: {  	_ =	task [dreg:s6], $0x5FFFF  }
0xac: {  	[dreg:$0x1] =	wrdreg $0xFFFFFFFF  }
0xad: {  	[dreg:$0x0] =	wrdreg $0x60  }
0xae: {  	[dreg:$0x2] =	wrdreg s24  }
0xaf: {  	[dreg:$0x3] =	wrdreg $0xA8000  }
0xb0: {  	[dreg:$0x4] =	wrdreg $0x9  }
0xb1: {  	_ =	task.clear_ibuf [dreg:s6], $0x5FFFF;
	_ =	strace $0x9000004F  }
0xb2: {  	s29 =	simm.s32 $0x9;
	_ =	strace $0x80000051  }
0xb3: {  	_ =	swait.ge [sflag:s29], $0x1  }
0xb4: {  	[sflag:s29] =	ssyncadd.s32 $0xFFFFFFFF  }
0xb5: {  	_ =	strace $0x90000051  }
0xb6: {  	_ =	sfence  }
0xb7: {  	s30 =	sld [smem:$0x0];
	_ =	sdelay $0x2  }
0xb8: {  	s31 =	sshll.u32 s1, $0xD;
	s1 =	sshrl.u32 s1, $0x2  }
0xb9: {  	s3 =	sand.u32 $0x4000, s31;
	s1 =	sadd.s32 s1, s30  }
0xba: {  	s0 =	sor.u32 s3, s0;
	s1 =	sshll.u32 s1, $0x11  }
0xbb: {  	s0 =	sor.u32 s1, s0  }
0xbc: {  	s0 =	sadd.s32 $0x8F2B, s0  }
0xbd: {  	[sflag:s0] =	ssyncadd.remote.s32 $0x1  }
0xbe: {  	_ =	sfence.sel $0xFFFF  }
0xbf: {  	[dreg:$0x0] =	wrdreg $0xFFFFFFFF;
	(pc) =	sbr.abs _section_cstart, $3  }
0xc0: {  	[dreg:$0x1] =	wrdreg $0xFFFFFFFF  }
0xc1: {  	_ =	task.clear_ibuf [dreg:s6], $0x2FFFF;
	_ =	strace $0x9FFFFFFF  }
0xc2: {  	(tm) =	ssettm $0x7FFFFFFF  }
0xc3: {  	_ =	shalt  }
tec
execute0_lowered:
.L_overlay_start_1:
0x0: {  	(tag) =	ssettag $0x1  }
0x1: {  	s1 =	srdreg.scid;
	s5 =	rddreg [dreg:$0x0]  }
0x2: {  	s0 =	stileid.u32;
	s2 =	rddreg [dreg:$0x1];
	s3 =	simm.s32 $0x0  }
0x3: {  	s14 =	simm.s32 $0x80;
	s15 =	simm.s32 $0x6800;
	s16 =	simm.s32 $0x1  }
0x4: {  	s17 =	simm.s32 $0x0;
	s6 =	sand.u32 $0x1, s1;
	s1 =	rddreg [dreg:$0x2]  }
0x5: {  	s28 =	sshll.u32 s0, $0x1;
	[smem:$0x7FF] =	sst s3;
	s8 =	smul.u32 $0x2800, s0  }
0x6: {  	s12 =	smul.u32 $0x50000, s0;
	s31 =	sshll.u32 s0, $0x6;
	s4 =	sor.u32 s6, s28  }
0x7: {  	_ =	strace $0x80000050;
	s9 =	smul.u32 $0x28000, s6;
	s29 =	ssub.s32 $0x2, s6  }
0x8: {  	p0 =	seq.s32 s6, $0x0;
	s7 =	smul.u32 $0x680, s4;
	s4 =	sadd.s32 $0x58C00, s5  }
0x9: {  	s11 =	sshrl.u32 s29, $0x1;
	s30 =	sshrl.u32 s12, $0x2;
	s9 =	sadd.s32 s8, s9  }
0xa: {  	s8 =	sadd.s32 s8, s5;
	s11 =	ssub.s32 s29, s11;
	s12 =	sadd.s32 s30, s2  }
0xb: {  	s10 =	sadd.s32 s7, s5;
	s13 =	sadd.s32 s9, s5;
	s5 =	simm.s32 $0x66  }
0xc: {  	s6 =	sadd.s32 $0x30C00, s8;
	s7 =	sor.u32 $0x1C02, s31;
	s11 =	smax.u32 s11, $0x1  }
0xd: {  	s12 =	sshrl.u32 s12, $0x3;
	s5 =	simm.s32 @!p0 $0x37;
	s8 =	sadd.s32 $0x16C00, s10  }
0xe: {  	s9 =	sadd.s32 $0x23C00, s10;
	s10 =	sadd.s32 $0x7FE00, s13;
	s13 =	simm.s32 $0x2  }
.LBB2_1:
0xf: {  	[spmem:s12], [sflag:s7] =	dma.local [hbm:s6], $0x2800  }
0x10: {  	_ =	swait.ge [sflag:s13], $0x2800  }
0x11: {  	[sflag:s13] =	ssyncset.done $0x0  }
0x12: {  	[sflag:s13] =	ssyncadd.s32 $0xFFFFD800  }
0x13: {  	[tilespmem:s3], [sflag:$0x2] =	stream.linear.gather [hbm4b:s8+s3], $0x3300, $0x38;
	[tilespmem:$0x1E800] =	vst v63  }
0x14: {  	_ =	swait.ge [sflag:s13], $0x3300  }
0x15: {  	[sflag:s13] =	ssyncset.done $0x0  }
0x16: {  	s18 =	simm.s32 $0x3400;
	[sflag:s13] =	ssyncadd.s32 $0xFFFFCD00  }
0x17: {  	[tilespmem:s18], [sflag:$0x2] =	stream.linear.gather [hbm4b:s9+s3], $0x3300, $0x38;
	[tilespmem:$0x1E800] =	vst v63  }
0x18: {  	_ =	swait.ge [sflag:s13], $0x3300  }
0x19: {  	[sflag:s13] =	ssyncset.done $0x0  }
0x1a: {  	[sflag:s13] =	ssyncadd.s32 $0xFFFFCD00  }
0x1b: {  	[bflag:$0x0] =	sbarrier.arrive $0xFFFF  }
0x1c: {  	[tilespmem:s15], [sflag:$0x1] =	stream.indirect.gather [hbm4b:s4+s14], $0x80, s3, s14, $0xb8;
	[tilespmem:$0x1E800] =	vst v63  }
0x1d: {  	p0 =	sne.s32 s5, $0x1;
	_ =	swait.ge [sflag:s16], $0x4000  }
.Ltmp0:
0x1e: {  	[sflag:s16] =	ssyncset.done $0x0;
	(pc) =	sbr.rel @!p0 .LBB2_3-.Ltmp0, $4  }
0x1f: {  	[sflag:s16] =	ssyncadd.s32 $0xFFFFC000  }
0x20: {  	[spmem:s2] =	stream.indirect.scatter.add.f32 [tilespmem:s15], [sflag:$0x2], $0x80, s18, s14, $0xb8;
	[tilespmem:$0x1E800] =	vst v63  }
0x21: {  	_ =	swait.ge [sflag:s13], $0x4000  }
0x22: {  	s19 =	sadd.s32 $0xFFFFFFFF, s5;
	s20 =	simm.s32 $0x0;
	[sflag:s13] =	ssyncset.done $0x0  }
.LBB2_2:
0x23: {  	[sflag:s13] =	ssyncadd.s32 $0xFFFFC000;
	s20 =	sadd.s32 $0x80, s20;
	s18 =	sadd.s32 $0x80, s18  }
0x24: {  	[tilespmem:s15], [sflag:$0x1] =	stream.indirect.gather [hbm4b:s4+s14], $0x80, s20, s14, $0xb8;
	[tilespmem:$0x1E800] =	vst v63  }
0x25: {  	p0 =	sne.s32 s19, $0x1;
	s19 =	sadd.s32 $0xFFFFFFFF, s19;
	_ =	swait.ge [sflag:s16], $0x4000  }
.Ltmp1:
0x26: {  	[sflag:s16] =	ssyncset.done $0x0;
	(pc) =	sbr.rel @p0 .LBB2_2-.Ltmp1, $4  }
0x27: {  	[sflag:s16] =	ssyncadd.s32 $0xFFFFC000  }
0x28: {  	[spmem:s2] =	stream.indirect.scatter.add.f32 [tilespmem:s15], [sflag:$0x2], $0x80, s18, s14, $0xb8;
	[tilespmem:$0x1E800] =	vst v63  }
0x29: {  	_ =	swait.ge [sflag:s13], $0x4000  }
0x2a: {  	[sflag:s13] =	ssyncset.done $0x0  }
.LBB2_3:
0x2b: {  	s17 =	sadd.s32 $0x1, s17  }
0x2c: {  	[sflag:s13] =	ssyncadd.s32 $0xFFFFC000;
	p0 =	sne.s32 s17, s11  }
.Ltmp2:
0x2d: {  	[bflag:$0x0] =	sbarrier.arrive $0xFFFF;
	(pc) =	sbr.rel @p0 .LBB2_1-.Ltmp2, $4  }
0x2e: {  	[hbm:s10], [sflag:s7] =	dma.local [spmem:s12], $0x2800  }
0x2f: {  	_ =	swait.ge [sflag:s13], $0x2800  }
0x30: {  	[sflag:s13] =	ssyncset.done $0x0  }
0x31: {  	[sflag:s13] =	ssyncadd.s32 $0xFFFFD800  }
0x32: {  	_ =	sfence.sel $0x180000  }
0x33: {  	[bflag:$0x0] =	sbarrier.arrive $0xFFFF  }
0x34: {  	p0 =	sne.s32 s0, $0x0;
	_ =	strace $0x90000050  }
0x35: {  	s0 =	sadd.s32 @!p0 $0x100000, s1;
	[bflag:$0x2] =	sbarrier.arrive $0xFFFF  }
0x36: {  	[sflag:s0] =	ssyncadd.tile.s32 @!p0 $0x1;
	_ =	shalt  }
.Lfunc_end2:
_tile_overlayer_lowered:
.L_overlay_start_2:
0x37: {  	(tag) =	ssettag $0x2  }
0x38: {  	s0 =	rddreg [dreg:$0x0];
	s2 =	stileid.u32  }
0x39: {  	s1 =	rddreg [dreg:$0x1];
	p0 =	sne.s32 s2, $0x0  }
0x3a: {  	s3 =	rddreg [dreg:$0x2];
	[bflag:$0x3] =	sbarrier.arrive $0xFFFF;
	s2 =	simm.s32 @!p0 $0x1C02  }
0x3b: {  	[timem:s3], [sflag:s2] =	dma.local @!p0 [hbm:s0], s1  }
0x3c: {  	s0 =	simm.s32 @!p0 $0x2  }
0x3d: {  	_ =	swait.ge @!p0 [sflag:s0], s1  }
0x3e: {  	s1 =	ssub.s32 @!p0 $0x0, s1;
	[sflag:s0] =	ssyncset.done @!p0 $0x0  }
0x3f: {  	[sflag:s0] =	ssyncadd.s32 @!p0 s1  }
0x40: {  	[bflag:$0x3] =	sbarrier.arrive $0xFFFF  }
0x41: {  	_ =	shalt  }

// kernel: kernel.9.cloned.1.call-start
scs
__scs_entry_jumppad:
0x0: {  	(pc) =	sbr.rel $0x88, $3  }
0x1: {  	(tag) =	ssettag $0x0;
	lr =	simm.s32 $0x1  }
0x2: {  	[smem:$0x3F91] =	sst lr;
	_ =	strace $0xD0000000  }
0x3: {  	_ = 	snop  }
0x4: {  	_ = 	snop  }
0x5: {  	_ = 	snop  }
0x6: {  	_ = 	snop  }
0x7: {  	_ = 	snop  }
__scs_overlays_trampoline_lowered:
0x8: {  	[smem:$0x3FA0] =	sst s0  }
0x9: {  	[smem:$0x3FA1] =	sst s1  }
0xa: {  	[smem:$0x3FA2] =	sst s2  }
0xb: {  	[smem:$0x3FA3] =	sst s3  }
0xc: {  	[smem:$0x3FA4] =	sst s4  }
0xd: {  	[smem:$0x3FA5] =	sst s5  }
0xe: {  	[smem:$0x3FA6] =	sst s6  }
0xf: {  	[smem:$0x3FA7] =	sst s7  }
0x10: {  	[smem:$0x3FA8] =	sst s8  }
0x11: {  	[smem:$0x3FA9] =	sst s9;
	s0 =	simm.s32 @!p0 $0x0  }
0x12: {  	s1 =	sld [smem:$0x3F8F];
	s0 =	simm.s32 @p0 $0x1  }
0x13: {  	[smem:$0x3FAA] =	sst s0;
	s0 =	simm.s32 @!p1 $0x0  }
0x14: {  	s2 =	sld [smem:$0x3F8E];
	s0 =	simm.s32 @p1 $0x1  }
0x15: {  	[smem:$0x3FAB] =	sst s0;
	s0 =	simm.s32 @!p2 $0x0  }
0x16: {  	s3 =	sld [smem:$0x3FDB];
	s0 =	simm.s32 @p2 $0x1  }
0x17: {  	s4 =	simm.s32 $0x1BF5;
	[smem:$0x3FAD] =	sst s0  }
0x18: {  	s0 =	sld [smem:$0x3F90];
	_ =	swait.ge [sflag:s4], $0x0  }
0x19: {  	s7 =	sld [smem:$0x3F91]  }
0x1a: {  	s8 =	sadd.s32 $0xFFFFE003, lr  }
0x1b: {  	s9 =	sadd.s32 $0xFFFFFEF7, lr;
	s5 =	simm.s32 $0xFFFFFFFF;
	p2 =	slt.u32 s8, $0xFFFFF086  }
0x1c: {  	p1 =	slt.u32 s9, $0xF7A;
	s5 =	simm.s32 @!p2 $0x0  }
0x1d: {  	s5 =	simm.s32 @p1 $0x1;
	p0 =	seq.s32 s7, s2  }
0x1e: {  	s7 =	smul.u32 @!p0 $0xF7A, s2;
	p2 =	seq.s32 @!p0 s5, $0x0  }
0x1f: {  	s9 =	smul.u32 $0xF7A, s1;
	s8 =	simm.s32 @!p0 $0x1BF5;
	p2 =	por !p2, p0  }
0x20: {  	[sflag:s8] =	ssyncset.s32 @!p0 $0xFFFFF086;
	s6 =	sadd.s32 @!p0 s3, s7;
	s7 =	simm.s32 @!p0 $0x108  }
0x21: {  	s3 =	sadd.s32 s3, s9;
	s6 =	sadd.s32 @!p0 $0x88, s6;
	s7 =	simm.s32 @p2 $0x1082  }
0x22: {  	[simem:s7], [sflag:s8] =	dma.local @!p0 [hbm:s6], $0xF7A  }
0x23: {  	s9 =	sor.u32 $0xD0000000, s2;
	s6 =	simm.s32 $0x108;
	_ =	swait.ge @!p0 [sflag:s8], $0x0  }
0x24: {  	s3 =	sadd.s32 $0x88, s3;
	s6 =	simm.s32 @!p1 $0x1082;
	[sflag:s4] =	ssyncset.s32 $0xFFFFF086  }
0x25: {  	[simem:s6], [sflag:s4] =	dma.local [hbm:s3], $0xF7A  }
0x26: {  	[smem:$0x3F91] =	sst s1;
	(tag) =	ssettag s2;
	_ =	strace s9  }
0x27: {  	s1 =	sld [smem:$0x3FA1]  }
0x28: {  	s2 =	sld [smem:$0x3FA2]  }
0x29: {  	s4 =	sld [smem:$0x3FA4]  }
0x2a: {  	p0 =	seq.s32 s5, $0x0;
	s5 =	sld [smem:$0x3FA5]  }
0x2b: {  	s6 =	sld [smem:$0x3FA6]  }
0x2c: {  	s7 =	sld [smem:$0x3FA7]  }
0x2d: {  	s3 =	simm.s32 $0x108;
	s8 =	sld [smem:$0x3FA8]  }
0x2e: {  	s3 =	simm.s32 @!p0 $0x1082;
	s9 =	sld [smem:$0x3FA9]  }
0x2f: {  	lr =	sadd.s32 s0, s3;
	s0 =	sld [smem:$0x3FA0]  }
0x30: {  	s3 =	sld [smem:$0x3FA3]  }
0x31: {  	[smem:$0x3FAC] =	sst s10  }
0x32: {  	s10 =	sld [smem:$0x3FAA];
	_ =	sdelay $0x3  }
0x33: {  	p0 =	seq.s32 s10, $0x1;
	s10 =	sld [smem:$0x3FAC];
	_ =	sdelay $0x3  }
0x34: {  	[smem:$0x3FAC] =	sst s10  }
0x35: {  	s10 =	sld [smem:$0x3FAB];
	_ =	sdelay $0x3  }
0x36: {  	p1 =	seq.s32 s10, $0x1;
	s10 =	sld [smem:$0x3FAC];
	_ =	sdelay $0x3  }
0x37: {  	[smem:$0x3FAC] =	sst s10  }
0x38: {  	s10 =	sld [smem:$0x3FAD]  }
0x39: {  	_ = 	snop;
	(pc) =	sbr.ind lr, $3  }
0x3a: {  	_ = 	snop  }
0x3b: {  	_ = 	snop  }
0x3c: {  	p2 =	seq.s32 s10, $0x1;
	s10 =	sld [smem:$0x3FAC]  }
0x3d: {  	_ =	shalt  }
0x3e: {  	_ =	shalt  }
0x3f: {  	_ =	shalt  }
0x40: {  	_ =	shalt  }
0x41: {  	_ =	shalt  }
0x42: {  	_ =	shalt  }
0x43: {  	_ =	shalt  }
0x44: {  	_ =	shalt  }
0x45: {  	_ =	shalt  }
0x46: {  	_ =	shalt  }
0x47: {  	_ =	shalt  }
0x48: {  	_ =	shalt  }
0x49: {  	_ =	shalt  }
0x4a: {  	_ =	shalt  }
0x4b: {  	_ =	shalt  }
0x4c: {  	_ =	shalt  }
0x4d: {  	_ =	shalt  }
0x4e: {  	_ =	shalt  }
0x4f: {  	_ =	shalt  }
0x50: {  	_ =	shalt  }
0x51: {  	_ =	shalt  }
0x52: {  	_ =	shalt  }
0x53: {  	_ =	shalt  }
0x54: {  	_ =	shalt  }
0x55: {  	_ =	shalt  }
0x56: {  	_ =	shalt  }
0x57: {  	_ =	shalt  }
0x58: {  	_ =	shalt  }
0x59: {  	_ =	shalt  }
0x5a: {  	_ =	shalt  }
0x5b: {  	_ =	shalt  }
0x5c: {  	_ =	shalt  }
0x5d: {  	_ =	shalt  }
0x5e: {  	_ =	shalt  }
0x5f: {  	_ =	shalt  }
0x60: {  	_ =	shalt  }
0x61: {  	_ =	shalt  }
0x62: {  	_ =	shalt  }
0x63: {  	_ =	shalt  }
0x64: {  	_ =	shalt  }
0x65: {  	_ =	shalt  }
0x66: {  	_ =	shalt  }
0x67: {  	_ =	shalt  }
0x68: {  	_ =	shalt  }
0x69: {  	_ =	shalt  }
0x6a: {  	_ =	shalt  }
0x6b: {  	_ =	shalt  }
0x6c: {  	_ =	shalt  }
0x6d: {  	_ =	shalt  }
0x6e: {  	_ =	shalt  }
0x6f: {  	_ =	shalt  }
0x70: {  	_ =	shalt  }
0x71: {  	_ =	shalt  }
0x72: {  	_ =	shalt  }
0x73: {  	_ =	shalt  }
0x74: {  	_ =	shalt  }
0x75: {  	_ =	shalt  }
0x76: {  	_ =	shalt  }
0x77: {  	_ =	shalt  }
0x78: {  	_ =	shalt  }
0x79: {  	_ =	shalt  }
0x7a: {  	_ =	shalt  }
0x7b: {  	_ =	shalt  }
0x7c: {  	_ =	shalt  }
0x7d: {  	_ =	shalt  }
0x7e: {  	_ =	shalt  }
0x7f: {  	_ =	shalt  }
0x80: {  	_ =	shalt  }
0x81: {  	_ =	shalt  }
0x82: {  	_ =	shalt  }
0x83: {  	_ =	shalt  }
0x84: {  	_ =	shalt  }
0x85: {  	_ =	shalt  }
0x86: {  	_ =	shalt  }
0x87: {  	_ =	shalt  }
.Lfunc_end0:
.L_simem_size_0:
called_computation_lowered:
.L_overlay_start_0:
0x88: {  	s2 =	sld [smem:$0x3FD9]  }
0x89: {  	s3 =	sld [smem:$0x3FFE];
	_ =	sdelay $0x1  }
0x8a: {  	s1 =	srdreg.scid  }
0x8b: {  	s0 =	sand.u32 $0x1, s1  }
0x8c: {  	s16 =	sshll.u32 s0, $0xA;
	s2 =	sadd.s32 s3, s2  }
0x8d: {  	s2 =	sadd.s32 s2, s16  }
0x8e: {  	[smem:$0x3FB8] =	sst s2  }
0x8f: {  	_ = 	snop  }
0x90: {  	(tm) =	ssettm $0x1  }
0x91: {  	s17 =	sld [smem:$0x3FFB];
	_ =	sdelay $0x3  }
0x92: {  	_ =	strace s17  }
0x93: {  	s2 =	sld [smem:$0x3FFC];
	_ =	sdelay $0x3  }
0x94: {  	_ =	strace s2  }
0x95: {  	s2 =	sld [smem:$0x3FFD];
	_ =	sdelay $0x3  }
0x96: {  	_ =	strace s2  }
0x97: {  	_ =	strace $0x8FFFFFFF  }
0x98: {  	s18 =	sld [smem:$0x3FDB];
	_ =	sdelay $0x1  }
0x99: {  	s19 =	simm.s32 $_scs_section_size  }
0x9a: {  	s4 =	simm.s32 $_size__tile_overlayer_lowered;
	s5 =	simm.s32 $_tile_overlayer_lowered  }
0x9b: {  	s22 =	simm.s32 $0x1BFF;
	s21 =	sshll.u32 s5, $0x1;
	s2 =	sadd.s32 s19, s18  }
0x9c: {  	s6 =	simm.s32 $0x0;
	s20 =	sshll.u32 s4, $0x1;
	s4 =	sadd.s32 s21, s2  }
0x9d: {  	[timem:s6], [sflag:s22] =	dma.local [hbm:s4], s20  }
0x9e: {  	_ =	swait.ge [sflag:s22], s20  }
0x9f: {  	s3 =	ssub.s32 $0x0, s20;
	[sflag:s22] =	ssyncset.done $0x0  }
0xa0: {  	[sflag:s22] =	ssyncadd.s32 s3;
	_ =	sdelay $0x1  }
0xa1: {  	s23 =	simm.s32 $0x1B8B  }
0xa2: {  	_ =	swait.ge [sflag:s23], $0x1  }
0xa3: {  	[sflag:s23] =	ssyncset.done $0x0  }
0xa4: {  	s25 =	simm.s32 $0x1B8E;
	s24 =	sld [smem:$0x3FFE];
	[sflag:s23] =	ssyncadd.s32 $0xFFFFFFFF  }
0xa5: {  	s26 =	simm.s32 $execute0_lowered;
	[smem:$0x3FD2] =	sst s25  }
0xa6: {  	s4 =	sshll.u32 s26, $0x1;
	_ =	strace $0x80000046;
	[dreg:$0x1] =	wrdreg $0xFFFFFFFF  }
0xa7: {  	s28 =	simm.s32 $_size_execute0_lowered;
	s2 =	sadd.s32 s2, s4;
	[dreg:$0x0] =	wrdreg $0x0  }
0xa8: {  	s4 =	sshll.u32 s28, $0x1;
	[dreg:$0x2] =	wrdreg s2  }
0xa9: {  	[dreg:$0x3] =	wrdreg s4  }
0xaa: {  	[dreg:$0x4] =	wrdreg $0xC0  }
0xab: {  	_ =	task [dreg:s6], $0x5FFFF  }
0xac: {  	[dreg:$0x1] =	wrdreg $0xFFFFFFFF  }
0xad: {  	[dreg:$0x0] =	wrdreg $0x60  }
0xae: {  	[dreg:$0x2] =	wrdreg s24  }
0xaf: {  	[dreg:$0x3] =	wrdreg $0x9  }
0xb0: {  	_ =	task.clear_ibuf [dreg:s6], $0x4FFFF;
	_ =	strace $0x90000046  }
0xb1: {  	s29 =	simm.s32 $0x9;
	_ =	strace $0x80000048  }
0xb2: {  	_ =	swait.ge [sflag:s29], $0x1  }
0xb3: {  	[sflag:s29] =	ssyncadd.s32 $0xFFFFFFFF  }
0xb4: {  	_ =	strace $0x90000048  }
0xb5: {  	_ =	sfence  }
0xb6: {  	s30 =	sld [smem:$0x0];
	_ =	sdelay $0x2  }
0xb7: {  	s31 =	sshll.u32 s1, $0xD;
	s1 =	sshrl.u32 s1, $0x2  }
0xb8: {  	s3 =	sand.u32 $0x4000, s31;
	s1 =	sadd.s32 s1, s30  }
0xb9: {  	s0 =	sor.u32 s3, s0;
	s1 =	sshll.u32 s1, $0x11  }
0xba: {  	s0 =	sor.u32 s1, s0  }
0xbb: {  	s0 =	sadd.s32 $0x8F2B, s0  }
0xbc: {  	[sflag:s0] =	ssyncadd.remote.s32 $0x1  }
0xbd: {  	_ =	sfence.sel $0xFFFF  }
0xbe: {  	[dreg:$0x0] =	wrdreg $0xFFFFFFFF;
	(pc) =	sbr.abs _section_cstart, $3  }
0xbf: {  	[dreg:$0x1] =	wrdreg $0xFFFFFFFF  }
0xc0: {  	_ =	task.clear_ibuf [dreg:s6], $0x2FFFF;
	_ =	strace $0x9FFFFFFF  }
0xc1: {  	(tm) =	ssettm $0x7FFFFFFF  }
tec
execute0_lowered:
.L_overlay_start_1:
0x0: {  	(tag) =	ssettag $0x1  }
0x1: {  	s3 =	rddreg [dreg:$0x0]  }
0x2: {  	s0 =	rddreg [dreg:$0x1]  }
0x3: {  	s1 =	stileid.u32;
	s2 =	simm.s32 $0x0;
	s4 =	srdreg.scid  }
0x4: {  	s9 =	simm.s32 $0x2780;
	s10 =	simm.s32 $0x0;
	s5 =	sshrl.u32 s1, $0x2  }
0x5: {  	s4 =	sand.u32 $0x1, s4;
	s6 =	sshll.u32 s1, $0x8;
	[smem:$0x7FF] =	sst s2  }
0x6: {  	s7 =	smul.u32 $0x13C00, s5;
	s8 =	sshll.u32 s4, $0x7;
	s6 =	sand.u32 $0x300, s6  }
0x7: {  	s5 =	smul.u32 $0x14000, s5;
	s4 =	ssub.s32 $0x2, s4;
	s6 =	sor.u32 s8, s6  }
0x8: {  	_ =	strace $0x80000047;
	s30 =	sshrl.u32 s4, $0x1;
	s7 =	sor.u32 s7, s6  }
0x9: {  	s8 =	simm.s32 $0x1;
	s5 =	sor.u32 s5, s6;
	s29 =	sshrl.u32 s7, $0x3  }
0xa: {  	s31 =	ssub.s32 s4, s30;
	s5 =	sshrl.u32 s5, $0x3;
	s6 =	sadd.s32 s29, s3  }
0xb: {  	s7 =	simm.s32 $0x400;
	s5 =	sadd.s32 s5, s3;
	s3 =	sadd.s32 $0x2E00, s6  }
0xc: {  	v0 =	vimm.f32 $0.0e+00;
	v1 =	vimm.f32 $1.000000000e+00;
	s4 =	sadd.s32 $0xCC00, s5;
	s5 =	smax.u32 s31, $0x1;
	s6 =	simm.s32 $0x80  }
.LBB2_1:
0xd: {  	[tilespmem:s2], [sflag:$0x1] =	stream.strided.gather [hbm4b:s3+s6], $0x2780, s7, s6, $0x38;
	[tilespmem:$0x4F80] =	vst v63  }
0xe: {  	_ =	swait.ge [sflag:s8], $0x2780  }
0xf: {  	[sflag:s8] =	ssyncset.done $0x0  }
0x10: {  	s11 =	simm.s32 $0x0;
	[sflag:s8] =	ssyncadd.s32 $0xFFFFD880  }
.LBB2_2:
0x11: {  	p0 =	sne.s32 s11, $0x9FC0  }
.Ltmp0:
0x12: {  	_ = 	snop;
	(pc) =	sbr.rel @p0 .LBB2_2-.Ltmp0, $3  }
0x13: {  	_ =	sdelay $0x1  }
0x14: {  	s12 =	sshra.s32 s11, $0x2  }
0x15: {  	s11 =	sadd.s32 $0x40, s11;
	[tilespmem:s12+$0x2780] =	vst v0  }
0x16: {  	s12 =	simm.s32 $0x0;
	s11 =	simm.s32 $0x40  }
.LBB2_4:
0x17: {  	p0 =	sne.s32 s11, $0x9C00;
	v2 =	vld [tilespmem:s12+$0x0];
	_ =	sdelay $0x3  }
.Ltmp1:
0x18: {  	(pc) =	sbr.rel @p0 .LBB2_4-.Ltmp1, $2  }
0x19: {  	_ =	sdelay $0x2  }
0x1a: {  	s12 =	sshra.s32 s11, $0x2;
	s11 =	sadd.s32 $0x40, s11;
	[tilespmem:v2+s9+$0x0] =	vst.idx.add.f32.msk $0xffff, v1  }
0x1b: {  	v2 =	vld [tilespmem:s12+$0x0];
	_ =	sdelay $0x5  }
0x1c: {  	s10 =	sadd.s32 $0x1, s10  }
0x1d: {  	p0 =	sne.s32 s10, s5  }
.Ltmp2:
0x1e: {  	[tilespmem:v2+s9+$0x0] =	vst.idx.add.f32.msk $0xffff, v1;
	(pc) =	sbr.rel @p0 .LBB2_1-.Ltmp2, $4  }
0x1f: {  	[hbm4b:s4+s6] =	stream.strided.scatter [tilespmem:s9], [sflag:$0x1], $0x2800, s7, s6, $0x38;
	[tilespmem:$0x4F80] =	vst v63  }
0x20: {  	_ =	swait.ge [sflag:s8], $0x2800  }
0x21: {  	[sflag:s8] =	ssyncset.done $0x0  }
0x22: {  	[sflag:s8] =	ssyncadd.s32 $0xFFFFD800  }
0x23: {  	_ =	sfence.sel $0x180000  }
0x24: {  	[bflag:$0x0] =	sbarrier.arrive $0xFFFF  }
0x25: {  	p0 =	sne.s32 s1, $0x0;
	_ =	strace $0x90000047  }
0x26: {  	s0 =	sadd.s32 @!p0 $0x100000, s0;
	[bflag:$0x2] =	sbarrier.arrive $0xFFFF  }
0x27: {  	[sflag:s0] =	ssyncadd.tile.s32 @!p0 $0x1;
	_ =	shalt  }
.Lfunc_end2:
_tile_overlayer_lowered:
.L_overlay_start_2:
0x28: {  	(tag) =	ssettag $0x2  }
0x29: {  	s0 =	rddreg [dreg:$0x0];
	s2 =	stileid.u32  }
0x2a: {  	s1 =	rddreg [dreg:$0x1];
	p0 =	sne.s32 s2, $0x0  }
0x2b: {  	s3 =	rddreg [dreg:$0x2];
	[bflag:$0x3] =	sbarrier.arrive $0xFFFF;
	s2 =	simm.s32 @!p0 $0x1C01  }
0x2c: {  	[timem:s3], [sflag:s2] =	dma.local @!p0 [hbm:s0], s1  }
0x2d: {  	s0 =	simm.s32 @!p0 $0x1  }
0x2e: {  	_ =	swait.ge @!p0 [sflag:s0], s1  }
0x2f: {  	s1 =	ssub.s32 @!p0 $0x0, s1;
	[sflag:s0] =	ssyncset.done @!p0 $0x0  }
0x30: {  	[sflag:s0] =	ssyncadd.s32 @!p0 s1  }
0x31: {  	[bflag:$0x3] =	sbarrier.arrive $0xFFFF  }
0x32: {  	_ =	shalt  }

</sc_bundles>
